<compile_context>
chip_gen: v7x
topology: tpu7x:2x2x1
jax: 0.10.2.dev20260603
libtpu: 0.0.44.dev20260713+nightly
codegen_flags: <defaults>
</compile_context>

<pallas_src>
import numpy as np

import functools

import jax
import jax.numpy as jnp
from jax import lax
from jax.experimental import pallas as pl
from jax.experimental.pallas import tpu as pltpu
from jax.experimental.pallas import tpu_sc as plsc

C = 96
H = 224
W = 224
YA = 16
XA = 16
CB = 32


def _bicubic_crop_weights(in_size: int, out_full: int, crop_start: int,
                          crop_len: int) -> np.ndarray:
    inv_scale = in_size / out_full
    sample_f = (np.arange(out_full, dtype=np.float64) + 0.5) * inv_scale - 0.5
    x = np.abs(sample_f[None, :] - np.arange(in_size, dtype=np.float64)[:, None])
    out = ((1.5 * x - 2.5) * x) * x + 1.0
    out = np.where(x >= 1.0, ((-0.5 * x + 2.5) * x - 4.0) * x + 2.0, out)
    w = np.where(x >= 2.0, 0.0, out)
    w = w / w.sum(axis=0, keepdims=True)
    w = w[:, crop_start:crop_start + crop_len]
    return np.ascontiguousarray(w.T.astype(np.float32))


_WY = _bicubic_crop_weights(4, 3 * H, H // 2, H)
_WXT = _bicubic_crop_weights(4, 3 * W, W // 2, W).T.copy()
_NPIX = float(H * W)


def _sc_gather(mt_hbm, st_hbm, idx_hbm, gm_hbm, gs_hbm,
               idx_v, rowsm_v, rowss_v, sem):
    wid = lax.axis_index("s") * 2 + lax.axis_index("c")

    @pl.when(wid == 0)
    def _():
        pltpu.sync_copy(idx_hbm, idx_v)
        pltpu.async_copy(mt_hbm.at[idx_v], rowsm_v, sem).wait()
        pltpu.sync_copy(rowsm_v, gm_hbm)
        pltpu.async_copy(st_hbm.at[idx_v], rowss_v, sem).wait()
        pltpu.sync_copy(rowss_v, gs_hbm)


def _sc_gather_call(mt, st, idx):
    mesh = plsc.VectorSubcoreMesh(core_axis_name="c", subcore_axis_name="s")
    sds = jax.ShapeDtypeStruct((16, 128), jnp.float32)
    return pl.kernel(
        _sc_gather, mesh=mesh,
        out_type=(sds, sds),
        scratch_types=[
            pltpu.VMEM((16,), jnp.int32),
            pltpu.VMEM((16, 128), jnp.float32),
            pltpu.VMEM((16, 128), jnp.float32),
            pltpu.SemaphoreType.DMA,
        ],
    )(mt, st, idx)


def _body(ya_ref, xa_ref, py_ref, px_ref, x_ref, mt_ref, st_ref,
          wy_ref, wxt_ref, wv_ref, bv_ref, out_ref, gma_ref, gsa_ref):
    pre = x_ref[1]
    s1 = jnp.sum(pre, axis=(1, 2), keepdims=True)
    s2 = jnp.sum(pre * pre, axis=(1, 2), keepdims=True)
    pm3 = s1 * (1.0 / _NPIX)
    var3 = (s2 - pm3 * s1) * (1.0 / (_NPIX - 1.0))
    pinv3 = 1.0 / jnp.sqrt(var3)

    wv = wv_ref[0]
    bv = bv_ref[0]
    psw = pinv3 * wv
    out_ref[1] = pre * psw + (bv - pm3 * psw)

    sy = jnp.clip(ya_ref[0, 0], 0, YA - 1)
    sx = jnp.clip(xa_ref[0, 0], 0, XA - 1)
    py = py_ref[0, 0]
    px = px_ref[0, 0]
    gma_ref[...] = mt_ref[:, :C].T
    gsa_ref[...] = st_ref[:, :C].T

    c0 = pl.program_id(0) * CB
    gm = gma_ref[pl.ds(c0, CB), :]
    gs = gsa_ref[pl.ds(c0, CB), :]
    gi = 1.0 / gs

    kk = jax.lax.broadcasted_iota(jnp.int32, (1, 16), 1)
    rowk = jnp.clip(sy + kk // 4 - 1, 0, YA - 1)
    colk = jnp.clip(sx + kk % 4 - 1, 0, XA - 1)
    m16 = ((rowk == py) & (colk == px)).astype(jnp.float32)

    pm2 = pm3[:, 0, :]
    pinv2 = pinv3[:, 0, :]
    wv2 = wv[:, 0, :]
    gm = gm * (1.0 - m16) + pm2 * m16
    gi = gi * (1.0 - m16) + pinv2 * m16

    wxt = wxt_ref[...]
    wy = wy_ref[...]
    um_rows = []
    us_rows = []
    for i in range(4):
        gm_i = gm[:, i * 4:(i + 1) * 4]
        gi_i = gi[:, i * 4:(i + 1) * 4]
        um_rows.append(jnp.dot(gm_i, wxt, preferred_element_type=jnp.float32)[:, None, :])
        us_rows.append((jnp.dot(gi_i, wxt, preferred_element_type=jnp.float32) * wv2)[:, None, :])
    um = jnp.concatenate(um_rows, axis=1)
    us = jnp.concatenate(us_rows, axis=1)

    for c in range(CB):
        mm = jnp.dot(wy, um[c], preferred_element_type=jnp.float32)
        ssw = jnp.dot(wy, us[c], preferred_element_type=jnp.float32)
        out_ref[0, c] = (x_ref[0, c] - mm) * ssw + bv[c]


def kernel(x, mean_table, std_table, weight, bias, y_anchor, x_anchor,
           pre_y1_anchor, pre_x1_anchor):
    ya = jnp.asarray(y_anchor, jnp.int32).reshape(1, 1)
    xa = jnp.asarray(x_anchor, jnp.int32).reshape(1, 1)
    py = jnp.asarray(pre_y1_anchor, jnp.int32).reshape(1, 1)
    px = jnp.asarray(pre_x1_anchor, jnp.int32).reshape(1, 1)
    mt = mean_table.reshape(YA * XA, C)
    st = std_table.reshape(YA * XA, C)
    kk = jnp.arange(16, dtype=jnp.int32)
    sy0 = jnp.clip(jnp.asarray(y_anchor, jnp.int32), 0, YA - 1)
    sx0 = jnp.clip(jnp.asarray(x_anchor, jnp.int32), 0, XA - 1)
    idx = (jnp.clip(sy0 + kk // 4 - 1, 0, YA - 1) * XA +
           jnp.clip(sx0 + kk % 4 - 1, 0, XA - 1))
    mtp = jnp.pad(mt, ((0, 0), (0, 128 - C)))
    stp = jnp.pad(st, ((0, 0), (0, 128 - C)))
    gm16, gs16 = _sc_gather_call(mtp, stp, idx)
    wv = weight
    bv = bias

    nblk = C // CB
    smem = pl.BlockSpec(memory_space=pltpu.SMEM)
    out = pl.pallas_call(
        _body,
        grid=(nblk,),
        in_specs=[
            smem, smem, smem, smem,
            pl.BlockSpec((2, CB, H, W), lambda cb: (0, cb, 0, 0)),
            pl.BlockSpec((16, 128), lambda cb: (0, 0)),
            pl.BlockSpec((16, 128), lambda cb: (0, 0)),
            pl.BlockSpec((H, 4), lambda cb: (0, 0)),
            pl.BlockSpec((4, W), lambda cb: (0, 0)),
            pl.BlockSpec((1, CB, 1, 1), lambda cb: (0, cb, 0, 0)),
            pl.BlockSpec((1, CB, 1, 1), lambda cb: (0, cb, 0, 0)),
        ],
        out_specs=pl.BlockSpec((2, CB, H, W), lambda cb: (0, cb, 0, 0)),
        out_shape=jax.ShapeDtypeStruct((2, C, H, W), jnp.float32),
        scratch_shapes=[pltpu.VMEM((C, 16), jnp.float32),
                        pltpu.VMEM((C, 16), jnp.float32)],
        compiler_params=pltpu.CompilerParams(
            dimension_semantics=("arbitrary",),
            vmem_limit_bytes=110 * 1024 * 1024),
    )(ya, xa, py, px, x, gm16, gs16, jnp.asarray(_WY), jnp.asarray(_WXT), wv, bv)
    return out

# --- scband reference (transcript-rebuilt; emitter-appended) ---
"""Pipeline reference for scband-prefetch-dense-instance-norm-64158221467882 (READ-ONLY COPY).

The authoritative reference and input builder live on the scoring server;
editing this copy changes nothing except your own understanding.
"""

import jax, jax.numpy as jnp
import numpy as np

C = 96
H = 224
W = 224
YA = 16
XA = 16

def setup_inputs(seed: int = 0) -> dict:
    key = jax.random.key(seed)
    k1, k2, k3 = jax.random.split(key, 3)
    x = jax.random.normal(k1, (2, C, H, W), dtype=jnp.float32)
    # statistics tables in a mid-stream (populated) state: std must be > 0,
    # matching realistic usage after many prefetch forward passes
    mean_table = jax.random.normal(k2, (YA, XA, C), dtype=jnp.float32) * 0.1
    std_table = jax.random.uniform(k3, (YA, XA, C), dtype=jnp.float32, minval=0.5, maxval=1.5)
    weight = jnp.ones((1, C, 1, 1), dtype=jnp.float32)
    bias = jnp.zeros((1, C, 1, 1), dtype=jnp.float32)
    return {"x": x, "mean_table": mean_table, "std_table": std_table,
            "weight": weight, "bias": bias,
            "y_anchor": 5, "x_anchor": 7, "pre_y1_anchor": 3, "pre_x1_anchor": 4}

def _pad_table(table):
    # table: [Y, X, C] -> [1, C, Y, X] then ReplicationPad2d((1, 2, 1, 2))
    t = jnp.transpose(table, (2, 0, 1))[None]
    return jnp.pad(t, ((0, 0), (0, 0), (1, 2), (1, 2)), mode='edge')

def reference(x, mean_table, std_table, weight, bias, y_anchor, x_anchor, pre_y1_anchor, pre_x1_anchor):
    # bicubic branch of PrefetchDenseInstanceNorm.forward with N=1 prefetch tile
    real_x, pre_x = jnp.split(x, 2, axis=0)
    _, _, h, w = x.shape
    # --- prefetch tile: compute stats, scatter into tables, normalize ---
    pre_x_mean = jnp.mean(pre_x, axis=(2, 3))               # [1, C]
    pre_x_std = jnp.std(pre_x, axis=(2, 3), ddof=1)         # unbiased, like torch.std_mean
    mean_table = mean_table.at[pre_y1_anchor, pre_x1_anchor].set(pre_x_mean[0])
    std_table = std_table.at[pre_y1_anchor, pre_x1_anchor].set(pre_x_std[0])
    padded_mean_table = _pad_table(mean_table)
    padded_std_table = _pad_table(std_table)
    pre_x = (pre_x - pre_x_mean[:, :, None, None]) / pre_x_std[:, :, None, None] * weight + bias
    # --- real tile: gather 4x4 neighborhood of stats, bicubic-interpolate, normalize ---
    c = padded_mean_table.shape[1]
    zero = jnp.zeros((), dtype=jnp.int32)
    x_mean = jax.lax.dynamic_slice(
        padded_mean_table,
        (zero, zero, jnp.asarray(y_anchor, jnp.int32), jnp.asarray(x_anchor, jnp.int32)),
        (1, c, 4, 4))
    x_std = jax.lax.dynamic_slice(
        padded_std_table,
        (zero, zero, jnp.asarray(y_anchor, jnp.int32), jnp.asarray(x_anchor, jnp.int32)),
        (1, c, 4, 4))
    x_mean = jax.image.resize(x_mean, (1, x_mean.shape[1], h * 3, w * 3), method='bicubic')
    x_mean = x_mean[:, :, h // 2:h // 2 + h, w // 2:w // 2 + w]
    x_std = jax.image.resize(1.0 / x_std, (1, x_std.shape[1], h * 3, w * 3), method='bicubic')
    x_std = x_std[:, :, h // 2:h // 2 + h, w // 2:w // 2 + w]
    real_x = (real_x - x_mean) * x_std * weight + bias
    return jnp.concatenate([real_x, pre_x], axis=0)

if __name__ == "__main__":
    import jax
    _d = setup_inputs()
    print(jax.jit(kernel)(*tuple(_d.values())))

</pallas_src>

<mosaic_0001>
#map = affine_map<(d0, d1) -> (0, 0)>
#map1 = affine_map<(d0, d1) -> (0)>
module attributes {stable_mosaic.version = 14 : i64} {
  func.func @_sc_gather(%arg0: i32, %arg1: i32, %arg2: memref<256x128xf32, #tpu.memory_space<hbm>>, %arg3: memref<256x128xf32, #tpu.memory_space<hbm>>, %arg4: memref<16xi32, #tpu.memory_space<hbm>>, %arg5: memref<16x128xf32, #tpu.memory_space<hbm>>, %arg6: memref<16x128xf32, #tpu.memory_space<hbm>>, %arg7: memref<16xi32, #tpu.memory_space<vmem>>, %arg8: memref<16x128xf32, #tpu.memory_space<vmem>>, %arg9: memref<16x128xf32, #tpu.memory_space<vmem>>, %arg10: memref<!tpu.dma_semaphore, #tpu.memory_space<semaphore_mem>>) attributes {dimension_semantics = [#tpu.dimension_semantics<core_parallel>, #tpu.dimension_semantics<subcore_parallel>], iteration_bounds = array<i64: 2, 16>, scalar_prefetch = 0 : i64, scratch_operands = 4 : i64, tpu.core_type = #tpu.core_type<sc_vector_subcore>, window_params = [{transform_indices = #map}, {transform_indices = #map}, {transform_indices = #map1}, {transform_indices = #map}, {transform_indices = #map}]} {
    %mul3A = arith.constant 2 : i32
    %mul3A_0 = arith.muli %arg1, %mul3A : i32
    %add3A = arith.addi %mul3A_0, %arg0 : i32
    %eq3A = arith.constant 0 : i32
    %eq3A_1 = arith.cmpi eq, %add3A, %eq3A : i32
    %convert_element_type3A = arith.extui %eq3A_1 : i1 to i32
    %cond3A = arith.constant 0 : i32
    %cond3A_2 = arith.cmpi ne, %convert_element_type3A, %cond3A : i32
    scf.if %cond3A_2 {
      "tpu.region"() ({
        %run_scoped3A = tpu.sem_alloc : memref<!tpu.dma_semaphore, #tpu.memory_space<semaphore_mem>>
        tpu.enqueue_dma source(%arg4 : memref<16xi32, #tpu.memory_space<hbm>>) target(%arg7 : memref<16xi32, #tpu.memory_space<vmem>>) target_semaphore(%run_scoped3A : memref<!tpu.dma_semaphore, #tpu.memory_space<semaphore_mem>>)
        tpu.wait_dma2 semaphore(%run_scoped3A : memref<!tpu.dma_semaphore, #tpu.memory_space<semaphore_mem>>) src(%arg4 : memref<16xi32, #tpu.memory_space<hbm>>) dst(%arg7 : memref<16xi32, #tpu.memory_space<vmem>>)
        tpu.yield
      }) : () -> ()
      %dma_start3A = arith.constant 0 : i32
      %dma_start3A_3 = arith.constant 0 : i32
      %dma_start3A_4 = tpu.memref_slice %arg2[%dma_start3A, %dma_start3A_3] : memref<256x128xf32, #tpu.memory_space<hbm>> -> memref<256x128xf32, #tpu.memory_space<hbm>>
      tpu.enqueue_indirect_dma source(%dma_start3A_4 : memref<256x128xf32, #tpu.memory_space<hbm>>) target(%arg8 : memref<16x128xf32, #tpu.memory_space<vmem>>) offsets(%arg7 : memref<16xi32, #tpu.memory_space<vmem>>) semaphore(%arg10 : memref<!tpu.dma_semaphore, #tpu.memory_space<semaphore_mem>>)
      %dma_wait3A = arith.constant 0 : i32
      %dma_wait3A_5 = arith.constant 0 : i32
      %dma_wait3A_6 = tpu.memref_slice %arg2[%dma_wait3A, %dma_wait3A_5] : memref<256x128xf32, #tpu.memory_space<hbm>> -> memref<256x128xf32, #tpu.memory_space<hbm>>
      tpu.wait_indirect_dma semaphore(%arg10 : memref<!tpu.dma_semaphore, #tpu.memory_space<semaphore_mem>>) src(%dma_wait3A_6 : memref<256x128xf32, #tpu.memory_space<hbm>>) dst(%arg8 : memref<16x128xf32, #tpu.memory_space<vmem>>)
      "tpu.region"() ({
        %run_scoped3A = tpu.sem_alloc : memref<!tpu.dma_semaphore, #tpu.memory_space<semaphore_mem>>
        tpu.enqueue_dma source(%arg8 : memref<16x128xf32, #tpu.memory_space<vmem>>) target(%arg5 : memref<16x128xf32, #tpu.memory_space<hbm>>) target_semaphore(%run_scoped3A : memref<!tpu.dma_semaphore, #tpu.memory_space<semaphore_mem>>)
        tpu.wait_dma2 semaphore(%run_scoped3A : memref<!tpu.dma_semaphore, #tpu.memory_space<semaphore_mem>>) src(%arg8 : memref<16x128xf32, #tpu.memory_space<vmem>>) dst(%arg5 : memref<16x128xf32, #tpu.memory_space<hbm>>)
        tpu.yield
      }) : () -> ()
      %dma_start3A_7 = arith.constant 0 : i32
      %dma_start3A_8 = arith.constant 0 : i32
      %dma_start3A_9 = tpu.memref_slice %arg3[%dma_start3A_7, %dma_start3A_8] : memref<256x128xf32, #tpu.memory_space<hbm>> -> memref<256x128xf32, #tpu.memory_space<hbm>>
      tpu.enqueue_indirect_dma source(%dma_start3A_9 : memref<256x128xf32, #tpu.memory_space<hbm>>) target(%arg9 : memref<16x128xf32, #tpu.memory_space<vmem>>) offsets(%arg7 : memref<16xi32, #tpu.memory_space<vmem>>) semaphore(%arg10 : memref<!tpu.dma_semaphore, #tpu.memory_space<semaphore_mem>>)
      %dma_wait3A_10 = arith.constant 0 : i32
      %dma_wait3A_11 = arith.constant 0 : i32
      %dma_wait3A_12 = tpu.memref_slice %arg3[%dma_wait3A_10, %dma_wait3A_11] : memref<256x128xf32, #tpu.memory_space<hbm>> -> memref<256x128xf32, #tpu.memory_space<hbm>>
      tpu.wait_indirect_dma semaphore(%arg10 : memref<!tpu.dma_semaphore, #tpu.memory_space<semaphore_mem>>) src(%dma_wait3A_12 : memref<256x128xf32, #tpu.memory_space<hbm>>) dst(%arg9 : memref<16x128xf32, #tpu.memory_space<vmem>>)
      "tpu.region"() ({
        %run_scoped3A = tpu.sem_alloc : memref<!tpu.dma_semaphore, #tpu.memory_space<semaphore_mem>>
        tpu.enqueue_dma source(%arg9 : memref<16x128xf32, #tpu.memory_space<vmem>>) target(%arg6 : memref<16x128xf32, #tpu.memory_space<hbm>>) target_semaphore(%run_scoped3A : memref<!tpu.dma_semaphore, #tpu.memory_space<semaphore_mem>>)
        tpu.wait_dma2 semaphore(%run_scoped3A : memref<!tpu.dma_semaphore, #tpu.memory_space<semaphore_mem>>) src(%arg9 : memref<16x128xf32, #tpu.memory_space<vmem>>) dst(%arg6 : memref<16x128xf32, #tpu.memory_space<hbm>>)
        tpu.yield
      }) : () -> ()
    } else {
    }
    return
  }
}

module attributes {stable_mosaic.version = 14 : i64} {
  func.func @_body(%arg0: i32, %arg1: memref<1x1xi32, #tpu.memory_space<smem>>, %arg2: memref<1x1xi32, #tpu.memory_space<smem>>, %arg3: memref<1x1xi32, #tpu.memory_space<smem>>, %arg4: memref<1x1xi32, #tpu.memory_space<smem>>, %arg5: memref<2x32x224x224xf32, #tpu.memory_space<vmem>>, %arg6: memref<16x128xf32, #tpu.memory_space<vmem>>, %arg7: memref<16x128xf32, #tpu.memory_space<vmem>>, %arg8: memref<224x4xf32, #tpu.memory_space<vmem>>, %arg9: memref<4x224xf32, #tpu.memory_space<vmem>>, %arg10: memref<1x32x1x1xf32, #tpu.memory_space<vmem>>, %arg11: memref<1x32x1x1xf32, #tpu.memory_space<vmem>>, %arg12: memref<2x32x224x224xf32, #tpu.memory_space<vmem>>, %arg13: memref<96x16xf32, #tpu.memory_space<vmem>>, %arg14: memref<96x16xf32, #tpu.memory_space<vmem>>) attributes {dimension_semantics = [#tpu.dimension_semantics<arbitrary>], iteration_bounds = array<i64: 3>, scalar_prefetch = 0 : i64, scratch_operands = 2 : i64, tpu.core_type = #tpu.core_type<tc>, window_params = [{transform_indices = @transform_0, window_bounds = array<i64: 1, 1>}, {transform_indices = @transform_1, window_bounds = array<i64: 1, 1>}, {transform_indices = @transform_2, window_bounds = array<i64: 1, 1>}, {transform_indices = @transform_3, window_bounds = array<i64: 1, 1>}, {transform_indices = @transform_4, window_bounds = array<i64: 2, 32, 224, 224>}, {pipeline_mode = #tpu.pipeline_mode<synchronous>, transform_indices = @transform_5, window_bounds = array<i64: 16, 128>}, {pipeline_mode = #tpu.pipeline_mode<synchronous>, transform_indices = @transform_6, window_bounds = array<i64: 16, 128>}, {pipeline_mode = #tpu.pipeline_mode<synchronous>, transform_indices = @transform_7, window_bounds = array<i64: 224, 4>}, {pipeline_mode = #tpu.pipeline_mode<synchronous>, transform_indices = @transform_8, window_bounds = array<i64: 4, 224>}, {transform_indices = @transform_9, window_bounds = array<i64: 1, 32, 1, 1>}, {transform_indices = @transform_10, window_bounds = array<i64: 1, 32, 1, 1>}, {transform_indices = @transform_11, window_bounds = array<i64: 2, 32, 224, 224>}]} {
    %get3A = arith.constant 1 : index
    %get3A_0 = arith.constant 0 : index
    %get3A_1 = arith.constant 0 : index
    %get3A_2 = arith.constant 0 : index
    %get3A_3 = vector.load %arg5[%get3A, %get3A_0, %get3A_1, %get3A_2] : memref<2x32x224x224xf32, #tpu.memory_space<vmem>>, vector<1x32x224x224xf32>
    %get3A_4 = vector.shape_cast %get3A_3 : vector<1x32x224x224xf32> to vector<32x224x224xf32>
    %reduce_sum3A = arith.constant dense<0.000000e+00> : vector<32xf32>
    %reduce_sum3A_5 = vector.multi_reduction <add>, %get3A_4, %reduce_sum3A [1, 2] : vector<32x224x224xf32> to vector<32xf32>
    %broadcast_in_dim3A = vector.shape_cast %reduce_sum3A_5 : vector<32xf32> to vector<32x1x1xf32>
    %mul3A = arith.mulf %get3A_4, %get3A_4 : vector<32x224x224xf32>
    %reduce_sum3A_6 = arith.constant dense<0.000000e+00> : vector<32xf32>
    %reduce_sum3A_7 = vector.multi_reduction <add>, %mul3A, %reduce_sum3A_6 [1, 2] : vector<32x224x224xf32> to vector<32xf32>
    %broadcast_in_dim3A_8 = vector.shape_cast %reduce_sum3A_7 : vector<32xf32> to vector<32x1x1xf32>
    %mul3A_9 = arith.constant 1.99298465E-5 : f32
    %mul3A_10 = vector.broadcast %mul3A_9 : f32 to vector<32x1x1xf32>
    %mul3A_11 = arith.mulf %broadcast_in_dim3A, %mul3A_10 : vector<32x1x1xf32>
    %mul3A_12 = arith.mulf %mul3A_11, %broadcast_in_dim3A : vector<32x1x1xf32>
    %sub3A = arith.subf %broadcast_in_dim3A_8, %mul3A_12 : vector<32x1x1xf32>
    %mul3A_13 = arith.constant 1.99302449E-5 : f32
    %mul3A_14 = vector.broadcast %mul3A_13 : f32 to vector<32x1x1xf32>
    %mul3A_15 = arith.mulf %sub3A, %mul3A_14 : vector<32x1x1xf32>
    %sqrt3A = math.sqrt %mul3A_15 : vector<32x1x1xf32>
    %div3A = arith.constant 1.000000e+00 : f32
    %div3A_16 = vector.broadcast %div3A : f32 to vector<32x1x1xf32>
    %div3A_17 = arith.divf %div3A_16, %sqrt3A : vector<32x1x1xf32>
    %get3A_18 = arith.constant 0 : index
    %get3A_19 = arith.constant 0 : index
    %get3A_20 = arith.constant 0 : index
    %get3A_21 = arith.constant 0 : index
    %get3A_22 = vector.load %arg10[%get3A_18, %get3A_19, %get3A_20, %get3A_21] : memref<1x32x1x1xf32, #tpu.memory_space<vmem>>, vector<1x32x1x1xf32>
    %get3A_23 = vector.shape_cast %get3A_22 : vector<1x32x1x1xf32> to vector<32x1x1xf32>
    %get3A_24 = arith.constant 0 : index
    %get3A_25 = arith.constant 0 : index
    %get3A_26 = arith.constant 0 : index
    %get3A_27 = arith.constant 0 : index
    %get3A_28 = vector.load %arg11[%get3A_24, %get3A_25, %get3A_26, %get3A_27] : memref<1x32x1x1xf32, #tpu.memory_space<vmem>>, vector<1x32x1x1xf32>
    %get3A_29 = vector.shape_cast %get3A_28 : vector<1x32x1x1xf32> to vector<32x1x1xf32>
    %mul3A_30 = arith.mulf %div3A_17, %get3A_23 : vector<32x1x1xf32>
    %mul3A_31 = vector.broadcast %mul3A_30 : vector<32x1x1xf32> to vector<32x224x224xf32>
    %mul3A_32 = arith.mulf %get3A_4, %mul3A_31 : vector<32x224x224xf32>
    %mul3A_33 = arith.mulf %mul3A_11, %mul3A_30 : vector<32x1x1xf32>
    %sub3A_34 = arith.subf %get3A_29, %mul3A_33 : vector<32x1x1xf32>
    %add3A = vector.broadcast %sub3A_34 : vector<32x1x1xf32> to vector<32x224x224xf32>
    %add3A_35 = arith.addf %mul3A_32, %add3A : vector<32x224x224xf32>
    %swap3A = arith.constant 1 : index
    %swap3A_36 = arith.constant 0 : index
    %swap3A_37 = arith.constant 0 : index
    %swap3A_38 = arith.constant 0 : index
    %swap3A_39 = vector.load %arg12[%swap3A, %swap3A_36, %swap3A_37, %swap3A_38] : memref<2x32x224x224xf32, #tpu.memory_space<vmem>>, vector<1x32x224x224xf32>
    %swap3A_40 = vector.shape_cast %swap3A_39 : vector<1x32x224x224xf32> to vector<32x224x224xf32>
    %swap3A_41 = vector.shape_cast %add3A_35 : vector<32x224x224xf32> to vector<1x32x224x224xf32>
    tpu.vector_store %arg12[%swap3A, %swap3A_36, %swap3A_37, %swap3A_38], %swap3A_41 {strides = array<i32>} : memref<2x32x224x224xf32, #tpu.memory_space<vmem>>, vector<1x32x224x224xf32>,
    %get3A_42 = arith.constant 0 : index
    %get3A_43 = arith.constant 0 : index
    %get3A_44 = memref.load %arg1[%get3A_42, %get3A_43] : memref<1x1xi32, #tpu.memory_space<smem>>
    %jit3A = arith.constant 0 : i32
    %jit3A_45 = arith.constant 15 : i32
    %max3A = arith.maxsi %jit3A, %get3A_44 : i32
    %min3A = arith.minsi %jit3A_45, %max3A : i32
    %get3A_46 = arith.constant 0 : index
    %get3A_47 = arith.constant 0 : index
    %get3A_48 = memref.load %arg2[%get3A_46, %get3A_47] : memref<1x1xi32, #tpu.memory_space<smem>>
    %jit3A_49 = arith.constant 0 : i32
    %jit3A_50 = arith.constant 15 : i32
    %max3A_51 = arith.maxsi %jit3A_49, %get3A_48 : i32
    %min3A_52 = arith.minsi %jit3A_50, %max3A_51 : i32
    %get3A_53 = arith.constant 0 : index
    %get3A_54 = arith.constant 0 : index
    %get3A_55 = memref.load %arg3[%get3A_53, %get3A_54] : memref<1x1xi32, #tpu.memory_space<smem>>
    %get3A_56 = arith.constant 0 : index
    %get3A_57 = arith.constant 0 : index
    %get3A_58 = memref.load %arg4[%get3A_56, %get3A_57] : memref<1x1xi32, #tpu.memory_space<smem>>
    %get3A_59 = arith.constant 0 : index
    %get3A_60 = arith.constant 0 : index
    %get3A_61 = vector.load %arg6[%get3A_59, %get3A_60] : memref<16x128xf32, #tpu.memory_space<vmem>>, vector<16x96xf32>
    %transpose3A = tpu.transpose %get3A_61, [1, 0] : vector<16x96xf32> -> vector<96x16xf32>
    %swap3A_62 = arith.constant 0 : index
    %swap3A_63 = arith.constant 0 : index
    %swap3A_64 = vector.load %arg13[%swap3A_62, %swap3A_63] : memref<96x16xf32, #tpu.memory_space<vmem>>, vector<96x16xf32>
    tpu.vector_store %arg13[%swap3A_62, %swap3A_63], %transpose3A {strides = array<i32>} : memref<96x16xf32, #tpu.memory_space<vmem>>, vector<96x16xf32>,
    %get3A_65 = arith.constant 0 : index
    %get3A_66 = arith.constant 0 : index
    %get3A_67 = vector.load %arg7[%get3A_65, %get3A_66] : memref<16x128xf32, #tpu.memory_space<vmem>>, vector<16x96xf32>
    %transpose3A_68 = tpu.transpose %get3A_67, [1, 0] : vector<16x96xf32> -> vector<96x16xf32>
    %swap3A_69 = arith.constant 0 : index
    %swap3A_70 = arith.constant 0 : index
    %swap3A_71 = vector.load %arg14[%swap3A_69, %swap3A_70] : memref<96x16xf32, #tpu.memory_space<vmem>>, vector<96x16xf32>
    tpu.vector_store %arg14[%swap3A_69, %swap3A_70], %transpose3A_68 {strides = array<i32>} : memref<96x16xf32, #tpu.memory_space<vmem>>, vector<96x16xf32>,
    %mul3A_72 = arith.constant 32 : i32
    %mul3A_73 = arith.muli %arg0, %mul3A_72 : i32
    %get3A_74 = arith.index_cast %mul3A_73 : i32 to index
    %get3A_75 = arith.constant 0 : index
    %get3A_76 = vector.load %arg13[%get3A_74, %get3A_75] : memref<96x16xf32, #tpu.memory_space<vmem>>, vector<32x16xf32>
    %get3A_77 = arith.index_cast %mul3A_73 : i32 to index
    %get3A_78 = arith.constant 0 : index
    %get3A_79 = vector.load %arg14[%get3A_77, %get3A_78] : memref<96x16xf32, #tpu.memory_space<vmem>>, vector<32x16xf32>
    %div3A_80 = arith.constant 1.000000e+00 : f32
    %div3A_81 = vector.broadcast %div3A_80 : f32 to vector<32x16xf32>
    %div3A_82 = arith.divf %div3A_81, %get3A_79 : vector<32x16xf32>
    %iota3A = tpu.iota {dimensions = array<i32: 1>} : vector<1x16xi32>
    %jit3A_83 = arith.constant 4 : i32
    %div3A_84 = vector.broadcast %jit3A_83 : i32 to vector<1x16xi32>
    %div3A_85 = arith.divsi %iota3A, %div3A_84 : vector<1x16xi32>
    %sign3A = arith.constant 0 : i32
    %sign3A_86 = vector.broadcast %sign3A : i32 to vector<1x16xi32>
    %sign3A_87 = arith.cmpi sgt, %iota3A, %sign3A_86 : vector<1x16xi32>
    %sign3A_88 = arith.extui %sign3A_87 : vector<1x16xi1> to vector<1x16xi32>
    %sign3A_89 = arith.constant 0 : i32
    %sign3A_90 = vector.broadcast %sign3A_89 : i32 to vector<1x16xi32>
    %sign3A_91 = arith.cmpi slt, %iota3A, %sign3A_90 : vector<1x16xi32>
    %sign3A_92 = arith.extui %sign3A_91 : vector<1x16xi1> to vector<1x16xi32>
    %sign3A_93 = arith.subi %sign3A_88, %sign3A_92 : vector<1x16xi32>
    %sign3A_94 = arith.constant 0 : i32
    %sign3A_95 = arith.cmpi sgt, %jit3A_83, %sign3A_94 : i32
    %sign3A_96 = arith.extui %sign3A_95 : i1 to i32
    %sign3A_97 = arith.constant 0 : i32
    %sign3A_98 = arith.cmpi slt, %jit3A_83, %sign3A_97 : i32
    %sign3A_99 = arith.extui %sign3A_98 : i1 to i32
    %sign3A_100 = arith.subi %sign3A_96, %sign3A_99 : i32
    %ne3A = vector.broadcast %sign3A_100 : i32 to vector<1x16xi32>
    %ne3A_101 = arith.cmpi ne, %sign3A_93, %ne3A : vector<1x16xi32>
    %rem3A = vector.broadcast %jit3A_83 : i32 to vector<1x16xi32>
    %rem3A_102 = arith.remsi %iota3A, %rem3A : vector<1x16xi32>
    %ne3A_103 = arith.constant 0 : i32
    %ne3A_104 = vector.broadcast %ne3A_103 : i32 to vector<1x16xi32>
    %ne3A_105 = arith.cmpi ne, %rem3A_102, %ne3A_104 : vector<1x16xi32>
    %and3A = arith.andi %ne3A_101, %ne3A_105 : vector<1x16xi1>
    %sub3A_106 = arith.constant 1 : i32
    %sub3A_107 = vector.broadcast %sub3A_106 : i32 to vector<1x16xi32>
    %sub3A_108 = arith.subi %div3A_85, %sub3A_107 : vector<1x16xi32>
    %select_n3A = arith.select %and3A, %sub3A_108, %div3A_85 : vector<1x16xi1>, vector<1x16xi32>
    %add3A_109 = vector.broadcast %min3A : i32 to vector<1x16xi32>
    %add3A_110 = arith.addi %add3A_109, %select_n3A : vector<1x16xi32>
    %sub3A_111 = arith.constant 1 : i32
    %sub3A_112 = vector.broadcast %sub3A_111 : i32 to vector<1x16xi32>
    %sub3A_113 = arith.subi %add3A_110, %sub3A_112 : vector<1x16xi32>
    %jit3A_114 = arith.constant 0 : i32
    %jit3A_115 = arith.constant 15 : i32
    %max3A_116 = vector.broadcast %jit3A_114 : i32 to vector<1x16xi32>
    %max3A_117 = arith.maxsi %max3A_116, %sub3A_113 : vector<1x16xi32>
    %min3A_118 = vector.broadcast %jit3A_115 : i32 to vector<1x16xi32>
    %min3A_119 = arith.minsi %min3A_118, %max3A_117 : vector<1x16xi32>
    %jit3A_120 = arith.constant 4 : i32
    %eq3A = arith.constant 0 : i32
    %eq3A_121 = arith.cmpi eq, %jit3A_120, %eq3A : i32
    %jit3A_122 = arith.constant 1 : i32
    %select_n3A_123 = arith.select %eq3A_121, %jit3A_122, %jit3A_120 : i32
    %rem3A_124 = vector.broadcast %select_n3A_123 : i32 to vector<1x16xi32>
    %rem3A_125 = arith.remsi %iota3A, %rem3A_124 : vector<1x16xi32>
    %ne3A_126 = arith.constant 0 : i32
    %ne3A_127 = vector.broadcast %ne3A_126 : i32 to vector<1x16xi32>
    %ne3A_128 = arith.cmpi ne, %rem3A_125, %ne3A_127 : vector<1x16xi32>
    %lt3A = arith.constant 0 : i32
    %lt3A_129 = vector.broadcast %lt3A : i32 to vector<1x16xi32>
    %lt3A_130 = arith.cmpi slt, %rem3A_125, %lt3A_129 : vector<1x16xi32>
    %lt3A_131 = arith.constant 0 : i32
    %lt3A_132 = arith.cmpi slt, %select_n3A_123, %lt3A_131 : i32
    %ne3A_133 = vector.broadcast %lt3A_132 : i1 to vector<1x16xi1>
    %ne3A_134 = vector.broadcast %ne3A_133 : vector<1x16xi1> to vector<1x16xi1>
    %ne3A_135 = arith.xori %lt3A_130, %ne3A_134 : vector<1x16xi1>
    %and3A_136 = arith.andi %ne3A_135, %ne3A_128 : vector<1x16xi1>
    %add3A_137 = vector.broadcast %select_n3A_123 : i32 to vector<1x16xi32>
    %add3A_138 = arith.addi %rem3A_125, %add3A_137 : vector<1x16xi32>
    %select_n3A_139 = arith.select %and3A_136, %add3A_138, %rem3A_125 : vector<1x16xi1>, vector<1x16xi32>
    %add3A_140 = vector.broadcast %min3A_52 : i32 to vector<1x16xi32>
    %add3A_141 = arith.addi %add3A_140, %select_n3A_139 : vector<1x16xi32>
    %sub3A_142 = arith.constant 1 : i32
    %sub3A_143 = vector.broadcast %sub3A_142 : i32 to vector<1x16xi32>
    %sub3A_144 = arith.subi %add3A_141, %sub3A_143 : vector<1x16xi32>
    %jit3A_145 = arith.constant 0 : i32
    %jit3A_146 = arith.constant 15 : i32
    %max3A_147 = vector.broadcast %jit3A_145 : i32 to vector<1x16xi32>
    %max3A_148 = arith.maxsi %max3A_147, %sub3A_144 : vector<1x16xi32>
    %min3A_149 = vector.broadcast %jit3A_146 : i32 to vector<1x16xi32>
    %min3A_150 = arith.minsi %min3A_149, %max3A_148 : vector<1x16xi32>
    %eq3A_151 = vector.broadcast %get3A_55 : i32 to vector<1x16xi32>
    %eq3A_152 = arith.cmpi eq, %min3A_119, %eq3A_151 : vector<1x16xi32>
    %eq3A_153 = vector.broadcast %get3A_58 : i32 to vector<1x16xi32>
    %eq3A_154 = arith.cmpi eq, %min3A_150, %eq3A_153 : vector<1x16xi32>
    %and3A_155 = arith.andi %eq3A_152, %eq3A_154 : vector<1x16xi1>
    %convert_element_type3A = arith.extui %and3A_155 : vector<1x16xi1> to vector<1x16xi32>
    %convert_element_type3A_156 = arith.sitofp %convert_element_type3A : vector<1x16xi32> to vector<1x16xf32>
    %squeeze3A = vector.shape_cast %mul3A_11 : vector<32x1x1xf32> to vector<32x1xf32>
    %squeeze3A_157 = vector.shape_cast %div3A_17 : vector<32x1x1xf32> to vector<32x1xf32>
    %squeeze3A_158 = vector.shape_cast %get3A_23 : vector<32x1x1xf32> to vector<32x1xf32>
    %sub3A_159 = arith.constant 1.000000e+00 : f32
    %sub3A_160 = vector.broadcast %sub3A_159 : f32 to vector<1x16xf32>
    %sub3A_161 = arith.subf %sub3A_160, %convert_element_type3A_156 : vector<1x16xf32>
    %mul3A_162 = vector.broadcast %sub3A_161 : vector<1x16xf32> to vector<32x16xf32>
    %mul3A_163 = arith.mulf %get3A_76, %mul3A_162 : vector<32x16xf32>
    %mul3A_164 = vector.broadcast %squeeze3A : vector<32x1xf32> to vector<32x16xf32>
    %mul3A_165 = vector.broadcast %convert_element_type3A_156 : vector<1x16xf32> to vector<32x16xf32>
    %mul3A_166 = arith.mulf %mul3A_164, %mul3A_165 : vector<32x16xf32>
    %add3A_167 = arith.addf %mul3A_163, %mul3A_166 : vector<32x16xf32>
    %sub3A_168 = arith.constant 1.000000e+00 : f32
    %sub3A_169 = vector.broadcast %sub3A_168 : f32 to vector<1x16xf32>
    %sub3A_170 = arith.subf %sub3A_169, %convert_element_type3A_156 : vector<1x16xf32>
    %mul3A_171 = vector.broadcast %sub3A_170 : vector<1x16xf32> to vector<32x16xf32>
    %mul3A_172 = arith.mulf %div3A_82, %mul3A_171 : vector<32x16xf32>
    %mul3A_173 = vector.broadcast %squeeze3A_157 : vector<32x1xf32> to vector<32x16xf32>
    %mul3A_174 = vector.broadcast %convert_element_type3A_156 : vector<1x16xf32> to vector<32x16xf32>
    %mul3A_175 = arith.mulf %mul3A_173, %mul3A_174 : vector<32x16xf32>
    %add3A_176 = arith.addf %mul3A_172, %mul3A_175 : vector<32x16xf32>
    %get3A_177 = arith.constant 0 : index
    %get3A_178 = arith.constant 0 : index
    %get3A_179 = vector.load %arg9[%get3A_177, %get3A_178] : memref<4x224xf32, #tpu.memory_space<vmem>>, vector<4x224xf32>
    %get3A_180 = arith.constant 0 : index
    %get3A_181 = arith.constant 0 : index
    %get3A_182 = vector.load %arg8[%get3A_180, %get3A_181] : memref<224x4xf32, #tpu.memory_space<vmem>>, vector<224x4xf32>
    %slice3A = vector.extract_strided_slice %add3A_167 {offsets = [0, 0], sizes = [32, 4], strides = [1, 1]} : vector<32x16xf32> to vector<32x4xf32>
    %slice3A_183 = vector.extract_strided_slice %add3A_176 {offsets = [0, 0], sizes = [32, 4], strides = [1, 1]} : vector<32x16xf32> to vector<32x4xf32>
    %dot_general3A = arith.constant dense<0.000000e+00> : vector<32x224xf32>
    %dot_general3A_184 = tpu.matmul %slice3A, %get3A_179, %dot_general3A {dimension_numbers = #tpu.dot_dimension_numbers<[1], [0], [0], [1], [0, 0, 1, 1], [], []>, transpose_lhs_hint = false} : vector<32x4xf32>, vector<4x224xf32>, vector<32x224xf32> -> vector<32x224xf32>
    %broadcast_in_dim3A_185 = vector.shape_cast %dot_general3A_184 : vector<32x224xf32> to vector<32x1x224xf32>
    %dot_general3A_186 = arith.constant dense<0.000000e+00> : vector<32x224xf32>
    %dot_general3A_187 = tpu.matmul %slice3A_183, %get3A_179, %dot_general3A_186 {dimension_numbers = #tpu.dot_dimension_numbers<[1], [0], [0], [1], [0, 0, 1, 1], [], []>, transpose_lhs_hint = false} : vector<32x4xf32>, vector<4x224xf32>, vector<32x224xf32> -> vector<32x224xf32>
    %mul3A_188 = vector.broadcast %squeeze3A_158 : vector<32x1xf32> to vector<32x224xf32>
    %mul3A_189 = arith.mulf %dot_general3A_187, %mul3A_188 : vector<32x224xf32>
    %broadcast_in_dim3A_190 = vector.shape_cast %mul3A_189 : vector<32x224xf32> to vector<32x1x224xf32>
    %slice3A_191 = vector.extract_strided_slice %add3A_167 {offsets = [0, 4], sizes = [32, 4], strides = [1, 1]} : vector<32x16xf32> to vector<32x4xf32>
    %slice3A_192 = vector.extract_strided_slice %add3A_176 {offsets = [0, 4], sizes = [32, 4], strides = [1, 1]} : vector<32x16xf32> to vector<32x4xf32>
    %dot_general3A_193 = arith.constant dense<0.000000e+00> : vector<32x224xf32>
    %dot_general3A_194 = tpu.matmul %slice3A_191, %get3A_179, %dot_general3A_193 {dimension_numbers = #tpu.dot_dimension_numbers<[1], [0], [0], [1], [0, 0, 1, 1], [], []>, transpose_lhs_hint = false} : vector<32x4xf32>, vector<4x224xf32>, vector<32x224xf32> -> vector<32x224xf32>
    %broadcast_in_dim3A_195 = vector.shape_cast %dot_general3A_194 : vector<32x224xf32> to vector<32x1x224xf32>
    %dot_general3A_196 = arith.constant dense<0.000000e+00> : vector<32x224xf32>
    %dot_general3A_197 = tpu.matmul %slice3A_192, %get3A_179, %dot_general3A_196 {dimension_numbers = #tpu.dot_dimension_numbers<[1], [0], [0], [1], [0, 0, 1, 1], [], []>, transpose_lhs_hint = false} : vector<32x4xf32>, vector<4x224xf32>, vector<32x224xf32> -> vector<32x224xf32>
    %mul3A_198 = vector.broadcast %squeeze3A_158 : vector<32x1xf32> to vector<32x224xf32>
    %mul3A_199 = arith.mulf %dot_general3A_197, %mul3A_198 : vector<32x224xf32>
    %broadcast_in_dim3A_200 = vector.shape_cast %mul3A_199 : vector<32x224xf32> to vector<32x1x224xf32>
    %slice3A_201 = vector.extract_strided_slice %add3A_167 {offsets = [0, 8], sizes = [32, 4], strides = [1, 1]} : vector<32x16xf32> to vector<32x4xf32>
    %slice3A_202 = vector.extract_strided_slice %add3A_176 {offsets = [0, 8], sizes = [32, 4], strides = [1, 1]} : vector<32x16xf32> to vector<32x4xf32>
    %dot_general3A_203 = arith.constant dense<0.000000e+00> : vector<32x224xf32>
    %dot_general3A_204 = tpu.matmul %slice3A_201, %get3A_179, %dot_general3A_203 {dimension_numbers = #tpu.dot_dimension_numbers<[1], [0], [0], [1], [0, 0, 1, 1], [], []>, transpose_lhs_hint = false} : vector<32x4xf32>, vector<4x224xf32>, vector<32x224xf32> -> vector<32x224xf32>
    %broadcast_in_dim3A_205 = vector.shape_cast %dot_general3A_204 : vector<32x224xf32> to vector<32x1x224xf32>
    %dot_general3A_206 = arith.constant dense<0.000000e+00> : vector<32x224xf32>
    %dot_general3A_207 = tpu.matmul %slice3A_202, %get3A_179, %dot_general3A_206 {dimension_numbers = #tpu.dot_dimension_numbers<[1], [0], [0], [1], [0, 0, 1, 1], [], []>, transpose_lhs_hint = false} : vector<32x4xf32>, vector<4x224xf32>, vector<32x224xf32> -> vector<32x224xf32>
    %mul3A_208 = vector.broadcast %squeeze3A_158 : vector<32x1xf32> to vector<32x224xf32>
    %mul3A_209 = arith.mulf %dot_general3A_207, %mul3A_208 : vector<32x224xf32>
    %broadcast_in_dim3A_210 = vector.shape_cast %mul3A_209 : vector<32x224xf32> to vector<32x1x224xf32>
    %slice3A_211 = vector.extract_strided_slice %add3A_167 {offsets = [0, 12], sizes = [32, 4], strides = [1, 1]} : vector<32x16xf32> to vector<32x4xf32>
    %slice3A_212 = vector.extract_strided_slice %add3A_176 {offsets = [0, 12], sizes = [32, 4], strides = [1, 1]} : vector<32x16xf32> to vector<32x4xf32>
    %dot_general3A_213 = arith.constant dense<0.000000e+00> : vector<32x224xf32>
    %dot_general3A_214 = tpu.matmul %slice3A_211, %get3A_179, %dot_general3A_213 {dimension_numbers = #tpu.dot_dimension_numbers<[1], [0], [0], [1], [0, 0, 1, 1], [], []>, transpose_lhs_hint = false} : vector<32x4xf32>, vector<4x224xf32>, vector<32x224xf32> -> vector<32x224xf32>
    %broadcast_in_dim3A_215 = vector.shape_cast %dot_general3A_214 : vector<32x224xf32> to vector<32x1x224xf32>
    %dot_general3A_216 = arith.constant dense<0.000000e+00> : vector<32x224xf32>
    %dot_general3A_217 = tpu.matmul %slice3A_212, %get3A_179, %dot_general3A_216 {dimension_numbers = #tpu.dot_dimension_numbers<[1], [0], [0], [1], [0, 0, 1, 1], [], []>, transpose_lhs_hint = false} : vector<32x4xf32>, vector<4x224xf32>, vector<32x224xf32> -> vector<32x224xf32>
    %mul3A_218 = vector.broadcast %squeeze3A_158 : vector<32x1xf32> to vector<32x224xf32>
    %mul3A_219 = arith.mulf %dot_general3A_217, %mul3A_218 : vector<32x224xf32>
    %broadcast_in_dim3A_220 = vector.shape_cast %mul3A_219 : vector<32x224xf32> to vector<32x1x224xf32>
    %concatenate3A = tpu.concatenate %broadcast_in_dim3A_185, %broadcast_in_dim3A_195, %broadcast_in_dim3A_205, %broadcast_in_dim3A_215 in 1 : vector<32x1x224xf32>, vector<32x1x224xf32>, vector<32x1x224xf32>, vector<32x1x224xf32> -> vector<32x4x224xf32>
    %concatenate3A_221 = tpu.concatenate %broadcast_in_dim3A_190, %broadcast_in_dim3A_200, %broadcast_in_dim3A_210, %broadcast_in_dim3A_220 in 1 : vector<32x1x224xf32>, vector<32x1x224xf32>, vector<32x1x224xf32>, vector<32x1x224xf32> -> vector<32x4x224xf32>
    %slice3A_222 = vector.extract_strided_slice %concatenate3A {offsets = [0, 0, 0], sizes = [1, 4, 224], strides = [1, 1, 1]} : vector<32x4x224xf32> to vector<1x4x224xf32>
    %squeeze3A_223 = vector.shape_cast %slice3A_222 : vector<1x4x224xf32> to vector<4x224xf32>
    %dot_general3A_224 = arith.constant dense<0.000000e+00> : vector<224x224xf32>
    %dot_general3A_225 = tpu.matmul %get3A_182, %squeeze3A_223, %dot_general3A_224 {dimension_numbers = #tpu.dot_dimension_numbers<[1], [0], [0], [1], [0, 0, 1, 1], [], []>, transpose_lhs_hint = false} : vector<224x4xf32>, vector<4x224xf32>, vector<224x224xf32> -> vector<224x224xf32>
    %slice3A_226 = vector.extract_strided_slice %concatenate3A_221 {offsets = [0, 0, 0], sizes = [1, 4, 224], strides = [1, 1, 1]} : vector<32x4x224xf32> to vector<1x4x224xf32>
    %squeeze3A_227 = vector.shape_cast %slice3A_226 : vector<1x4x224xf32> to vector<4x224xf32>
    %dot_general3A_228 = arith.constant dense<0.000000e+00> : vector<224x224xf32>
    %dot_general3A_229 = tpu.matmul %get3A_182, %squeeze3A_227, %dot_general3A_228 {dimension_numbers = #tpu.dot_dimension_numbers<[1], [0], [0], [1], [0, 0, 1, 1], [], []>, transpose_lhs_hint = false} : vector<224x4xf32>, vector<4x224xf32>, vector<224x224xf32> -> vector<224x224xf32>
    %get3A_230 = arith.constant 0 : index
    %get3A_231 = arith.constant 0 : index
    %get3A_232 = arith.constant 0 : index
    %get3A_233 = arith.constant 0 : index
    %get3A_234 = vector.load %arg5[%get3A_230, %get3A_231, %get3A_232, %get3A_233] : memref<2x32x224x224xf32, #tpu.memory_space<vmem>>, vector<1x1x224x224xf32>
    %get3A_235 = vector.shape_cast %get3A_234 : vector<1x1x224x224xf32> to vector<224x224xf32>
    %sub3A_236 = arith.subf %get3A_235, %dot_general3A_225 : vector<224x224xf32>
    %mul3A_237 = arith.mulf %sub3A_236, %dot_general3A_229 : vector<224x224xf32>
    %slice3A_238 = vector.extract_strided_slice %get3A_29 {offsets = [0, 0, 0], sizes = [1, 1, 1], strides = [1, 1, 1]} : vector<32x1x1xf32> to vector<1x1x1xf32>
    %squeeze3A_239 = vector.shape_cast %slice3A_238 : vector<1x1x1xf32> to vector<1x1xf32>
    %add3A_240 = vector.broadcast %squeeze3A_239 : vector<1x1xf32> to vector<224x224xf32>
    %add3A_241 = arith.addf %mul3A_237, %add3A_240 : vector<224x224xf32>
    %swap3A_242 = arith.constant 0 : index
    %swap3A_243 = arith.constant 0 : index
    %swap3A_244 = arith.constant 0 : index
    %swap3A_245 = arith.constant 0 : index
    %swap3A_246 = vector.load %arg12[%swap3A_242, %swap3A_243, %swap3A_244, %swap3A_245] : memref<2x32x224x224xf32, #tpu.memory_space<vmem>>, vector<1x1x224x224xf32>
    %swap3A_247 = vector.shape_cast %swap3A_246 : vector<1x1x224x224xf32> to vector<224x224xf32>
    %swap3A_248 = vector.shape_cast %add3A_241 : vector<224x224xf32> to vector<1x1x224x224xf32>
    tpu.vector_store %arg12[%swap3A_242, %swap3A_243, %swap3A_244, %swap3A_245], %swap3A_248 {strides = array<i32>} : memref<2x32x224x224xf32, #tpu.memory_space<vmem>>, vector<1x1x224x224xf32>,
    %slice3A_249 = vector.extract_strided_slice %concatenate3A {offsets = [1, 0, 0], sizes = [1, 4, 224], strides = [1, 1, 1]} : vector<32x4x224xf32> to vector<1x4x224xf32>
    %squeeze3A_250 = vector.shape_cast %slice3A_249 : vector<1x4x224xf32> to vector<4x224xf32>
    %dot_general3A_251 = arith.constant dense<0.000000e+00> : vector<224x224xf32>
    %dot_general3A_252 = tpu.matmul %get3A_182, %squeeze3A_250, %dot_general3A_251 {dimension_numbers = #tpu.dot_dimension_numbers<[1], [0], [0], [1], [0, 0, 1, 1], [], []>, transpose_lhs_hint = false} : vector<224x4xf32>, vector<4x224xf32>, vector<224x224xf32> -> vector<224x224xf32>
    %slice3A_253 = vector.extract_strided_slice %concatenate3A_221 {offsets = [1, 0, 0], sizes = [1, 4, 224], strides = [1, 1, 1]} : vector<32x4x224xf32> to vector<1x4x224xf32>
    %squeeze3A_254 = vector.shape_cast %slice3A_253 : vector<1x4x224xf32> to vector<4x224xf32>
    %dot_general3A_255 = arith.constant dense<0.000000e+00> : vector<224x224xf32>
    %dot_general3A_256 = tpu.matmul %get3A_182, %squeeze3A_254, %dot_general3A_255 {dimension_numbers = #tpu.dot_dimension_numbers<[1], [0], [0], [1], [0, 0, 1, 1], [], []>, transpose_lhs_hint = false} : vector<224x4xf32>, vector<4x224xf32>, vector<224x224xf32> -> vector<224x224xf32>
    %get3A_257 = arith.constant 0 : index
    %get3A_258 = arith.constant 1 : index
    %get3A_259 = arith.constant 0 : index
    %get3A_260 = arith.constant 0 : index
    %get3A_261 = vector.load %arg5[%get3A_257, %get3A_258, %get3A_259, %get3A_260] : memref<2x32x224x224xf32, #tpu.memory_space<vmem>>, vector<1x1x224x224xf32>
    %get3A_262 = vector.shape_cast %get3A_261 : vector<1x1x224x224xf32> to vector<224x224xf32>
    %sub3A_263 = arith.subf %get3A_262, %dot_general3A_252 : vector<224x224xf32>
    %mul3A_264 = arith.mulf %sub3A_263, %dot_general3A_256 : vector<224x224xf32>
    %slice3A_265 = vector.extract_strided_slice %get3A_29 {offsets = [1, 0, 0], sizes = [1, 1, 1], strides = [1, 1, 1]} : vector<32x1x1xf32> to vector<1x1x1xf32>
    %squeeze3A_266 = vector.shape_cast %slice3A_265 : vector<1x1x1xf32> to vector<1x1xf32>
    %add3A_267 = vector.broadcast %squeeze3A_266 : vector<1x1xf32> to vector<224x224xf32>
    %add3A_268 = arith.addf %mul3A_264, %add3A_267 : vector<224x224xf32>
    %swap3A_269 = arith.constant 0 : index
    %swap3A_270 = arith.constant 1 : index
    %swap3A_271 = arith.constant 0 : index
    %swap3A_272 = arith.constant 0 : index
    %swap3A_273 = vector.load %arg12[%swap3A_269, %swap3A_270, %swap3A_271, %swap3A_272] : memref<2x32x224x224xf32, #tpu.memory_space<vmem>>, vector<1x1x224x224xf32>
    %swap3A_274 = vector.shape_cast %swap3A_273 : vector<1x1x224x224xf32> to vector<224x224xf32>
    %swap3A_275 = vector.shape_cast %add3A_268 : vector<224x224xf32> to vector<1x1x224x224xf32>
    tpu.vector_store %arg12[%swap3A_269, %swap3A_270, %swap3A_271, %swap3A_272], %swap3A_275 {strides = array<i32>} : memref<2x32x224x224xf32, #tpu.memory_space<vmem>>, vector<1x1x224x224xf32>,
    %slice3A_276 = vector.extract_strided_slice %concatenate3A {offsets = [2, 0, 0], sizes = [1, 4, 224], strides = [1, 1, 1]} : vector<32x4x224xf32> to vector<1x4x224xf32>
    %squeeze3A_277 = vector.shape_cast %slice3A_276 : vector<1x4x224xf32> to vector<4x224xf32>
    %dot_general3A_278 = arith.constant dense<0.000000e+00> : vector<224x224xf32>
    %dot_general3A_279 = tpu.matmul %get3A_182, %squeeze3A_277, %dot_general3A_278 {dimension_numbers = #tpu.dot_dimension_numbers<[1], [0], [0], [1], [0, 0, 1, 1], [], []>, transpose_lhs_hint = false} : vector<224x4xf32>, vector<4x224xf32>, vector<224x224xf32> -> vector<224x224xf32>
    %slice3A_280 = vector.extract_strided_slice %concatenate3A_221 {offsets = [2, 0, 0], sizes = [1, 4, 224], strides = [1, 1, 1]} : vector<32x4x224xf32> to vector<1x4x224xf32>
    %squeeze3A_281 = vector.shape_cast %slice3A_280 : vector<1x4x224xf32> to vector<4x224xf32>
    %dot_general3A_282 = arith.constant dense<0.000000e+00> : vector<224x224xf32>
    %dot_general3A_283 = tpu.matmul %get3A_182, %squeeze3A_281, %dot_general3A_282 {dimension_numbers = #tpu.dot_dimension_numbers<[1], [0], [0], [1], [0, 0, 1, 1], [], []>, transpose_lhs_hint = false} : vector<224x4xf32>, vector<4x224xf32>, vector<224x224xf32> -> vector<224x224xf32>
    %get3A_284 = arith.constant 0 : index
    %get3A_285 = arith.constant 2 : index
    %get3A_286 = arith.constant 0 : index
    %get3A_287 = arith.constant 0 : index
    %get3A_288 = vector.load %arg5[%get3A_284, %get3A_285, %get3A_286, %get3A_287] : memref<2x32x224x224xf32, #tpu.memory_space<vmem>>, vector<1x1x224x224xf32>
    %get3A_289 = vector.shape_cast %get3A_288 : vector<1x1x224x224xf32> to vector<224x224xf32>
    %sub3A_290 = arith.subf %get3A_289, %dot_general3A_279 : vector<224x224xf32>
    %mul3A_291 = arith.mulf %sub3A_290, %dot_general3A_283 : vector<224x224xf32>
    %slice3A_292 = vector.extract_strided_slice %get3A_29 {offsets = [2, 0, 0], sizes = [1, 1, 1], strides = [1, 1, 1]} : vector<32x1x1xf32> to vector<1x1x1xf32>
    %squeeze3A_293 = vector.shape_cast %slice3A_292 : vector<1x1x1xf32> to vector<1x1xf32>
    %add3A_294 = vector.broadcast %squeeze3A_293 : vector<1x1xf32> to vector<224x224xf32>
    %add3A_295 = arith.addf %mul3A_291, %add3A_294 : vector<224x224xf32>
    %swap3A_296 = arith.constant 0 : index
    %swap3A_297 = arith.constant 2 : index
    %swap3A_298 = arith.constant 0 : index
    %swap3A_299 = arith.constant 0 : index
    %swap3A_300 = vector.load %arg12[%swap3A_296, %swap3A_297, %swap3A_298, %swap3A_299] : memref<2x32x224x224xf32, #tpu.memory_space<vmem>>, vector<1x1x224x224xf32>
    %swap3A_301 = vector.shape_cast %swap3A_300 : vector<1x1x224x224xf32> to vector<224x224xf32>
    %swap3A_302 = vector.shape_cast %add3A_295 : vector<224x224xf32> to vector<1x1x224x224xf32>
    tpu.vector_store %arg12[%swap3A_296, %swap3A_297, %swap3A_298, %swap3A_299], %swap3A_302 {strides = array<i32>} : memref<2x32x224x224xf32, #tpu.memory_space<vmem>>, vector<1x1x224x224xf32>,
    %slice3A_303 = vector.extract_strided_slice %concatenate3A {offsets = [3, 0, 0], sizes = [1, 4, 224], strides = [1, 1, 1]} : vector<32x4x224xf32> to vector<1x4x224xf32>
    %squeeze3A_304 = vector.shape_cast %slice3A_303 : vector<1x4x224xf32> to vector<4x224xf32>
    %dot_general3A_305 = arith.constant dense<0.000000e+00> : vector<224x224xf32>
    %dot_general3A_306 = tpu.matmul %get3A_182, %squeeze3A_304, %dot_general3A_305 {dimension_numbers = #tpu.dot_dimension_numbers<[1], [0], [0], [1], [0, 0, 1, 1], [], []>, transpose_lhs_hint = false} : vector<224x4xf32>, vector<4x224xf32>, vector<224x224xf32> -> vector<224x224xf32>
    %slice3A_307 = vector.extract_strided_slice %concatenate3A_221 {offsets = [3, 0, 0], sizes = [1, 4, 224], strides = [1, 1, 1]} : vector<32x4x224xf32> to vector<1x4x224xf32>
    %squeeze3A_308 = vector.shape_cast %slice3A_307 : vector<1x4x224xf32> to vector<4x224xf32>
    %dot_general3A_309 = arith.constant dense<0.000000e+00> : vector<224x224xf32>
    %dot_general3A_310 = tpu.matmul %get3A_182, %squeeze3A_308, %dot_general3A_309 {dimension_numbers = #tpu.dot_dimension_numbers<[1], [0], [0], [1], [0, 0, 1, 1], [], []>, transpose_lhs_hint = false} : vector<224x4xf32>, vector<4x224xf32>, vector<224x224xf32> -> vector<224x224xf32>
    %get3A_311 = arith.constant 0 : index
    %get3A_312 = arith.constant 3 : index
    %get3A_313 = arith.constant 0 : index
    %get3A_314 = arith.constant 0 : index
    %get3A_315 = vector.load %arg5[%get3A_311, %get3A_312, %get3A_313, %get3A_314] : memref<2x32x224x224xf32, #tpu.memory_space<vmem>>, vector<1x1x224x224xf32>
    %get3A_316 = vector.shape_cast %get3A_315 : vector<1x1x224x224xf32> to vector<224x224xf32>
    %sub3A_317 = arith.subf %get3A_316, %dot_general3A_306 : vector<224x224xf32>
    %mul3A_318 = arith.mulf %sub3A_317, %dot_general3A_310 : vector<224x224xf32>
    %slice3A_319 = vector.extract_strided_slice %get3A_29 {offsets = [3, 0, 0], sizes = [1, 1, 1], strides = [1, 1, 1]} : vector<32x1x1xf32> to vector<1x1x1xf32>
    %squeeze3A_320 = vector.shape_cast %slice3A_319 : vector<1x1x1xf32> to vector<1x1xf32>
    %add3A_321 = vector.broadcast %squeeze3A_320 : vector<1x1xf32> to vector<224x224xf32>
    %add3A_322 = arith.addf %mul3A_318, %add3A_321 : vector<224x224xf32>
    %swap3A_323 = arith.constant 0 : index
    %swap3A_324 = arith.constant 3 : index
    %swap3A_325 = arith.constant 0 : index
    %swap3A_326 = arith.constant 0 : index
    %swap3A_327 = vector.load %arg12[%swap3A_323, %swap3A_324, %swap3A_325, %swap3A_326] : memref<2x32x224x224xf32, #tpu.memory_space<vmem>>, vector<1x1x224x224xf32>
    %swap3A_328 = vector.shape_cast %swap3A_327 : vector<1x1x224x224xf32> to vector<224x224xf32>
    %swap3A_329 = vector.shape_cast %add3A_322 : vector<224x224xf32> to vector<1x1x224x224xf32>
    tpu.vector_store %arg12[%swap3A_323, %swap3A_324, %swap3A_325, %swap3A_326], %swap3A_329 {strides = array<i32>} : memref<2x32x224x224xf32, #tpu.memory_space<vmem>>, vector<1x1x224x224xf32>,
    %slice3A_330 = vector.extract_strided_slice %concatenate3A {offsets = [4, 0, 0], sizes = [1, 4, 224], strides = [1, 1, 1]} : vector<32x4x224xf32> to vector<1x4x224xf32>
    %squeeze3A_331 = vector.shape_cast %slice3A_330 : vector<1x4x224xf32> to vector<4x224xf32>
    %dot_general3A_332 = arith.constant dense<0.000000e+00> : vector<224x224xf32>
    %dot_general3A_333 = tpu.matmul %get3A_182, %squeeze3A_331, %dot_general3A_332 {dimension_numbers = #tpu.dot_dimension_numbers<[1], [0], [0], [1], [0, 0, 1, 1], [], []>, transpose_lhs_hint = false} : vector<224x4xf32>, vector<4x224xf32>, vector<224x224xf32> -> vector<224x224xf32>
    %slice3A_334 = vector.extract_strided_slice %concatenate3A_221 {offsets = [4, 0, 0], sizes = [1, 4, 224], strides = [1, 1, 1]} : vector<32x4x224xf32> to vector<1x4x224xf32>
    %squeeze3A_335 = vector.shape_cast %slice3A_334 : vector<1x4x224xf32> to vector<4x224xf32>
    %dot_general3A_336 = arith.constant dense<0.000000e+00> : vector<224x224xf32>
    %dot_general3A_337 = tpu.matmul %get3A_182, %squeeze3A_335, %dot_general3A_336 {dimension_numbers = #tpu.dot_dimension_numbers<[1], [0], [0], [1], [0, 0, 1, 1], [], []>, transpose_lhs_hint = false} : vector<224x4xf32>, vector<4x224xf32>, vector<224x224xf32> -> vector<224x224xf32>
    %get3A_338 = arith.constant 0 : index
    %get3A_339 = arith.constant 4 : index
    %get3A_340 = arith.constant 0 : index
    %get3A_341 = arith.constant 0 : index
    %get3A_342 = vector.load %arg5[%get3A_338, %get3A_339, %get3A_340, %get3A_341] : memref<2x32x224x224xf32, #tpu.memory_space<vmem>>, vector<1x1x224x224xf32>
    %get3A_343 = vector.shape_cast %get3A_342 : vector<1x1x224x224xf32> to vector<224x224xf32>
    %sub3A_344 = arith.subf %get3A_343, %dot_general3A_333 : vector<224x224xf32>
    %mul3A_345 = arith.mulf %sub3A_344, %dot_general3A_337 : vector<224x224xf32>
    %slice3A_346 = vector.extract_strided_slice %get3A_29 {offsets = [4, 0, 0], sizes = [1, 1, 1], strides = [1, 1, 1]} : vector<32x1x1xf32> to vector<1x1x1xf32>
    %squeeze3A_347 = vector.shape_cast %slice3A_346 : vector<1x1x1xf32> to vector<1x1xf32>
    %add3A_348 = vector.broadcast %squeeze3A_347 : vector<1x1xf32> to vector<224x224xf32>
    %add3A_349 = arith.addf %mul3A_345, %add3A_348 : vector<224x224xf32>
    %swap3A_350 = arith.constant 0 : index
    %swap3A_351 = arith.constant 4 : index
    %swap3A_352 = arith.constant 0 : index
    %swap3A_353 = arith.constant 0 : index
    %swap3A_354 = vector.load %arg12[%swap3A_350, %swap3A_351, %swap3A_352, %swap3A_353] : memref<2x32x224x224xf32, #tpu.memory_space<vmem>>, vector<1x1x224x224xf32>
    %swap3A_355 = vector.shape_cast %swap3A_354 : vector<1x1x224x224xf32> to vector<224x224xf32>
    %swap3A_356 = vector.shape_cast %add3A_349 : vector<224x224xf32> to vector<1x1x224x224xf32>
    tpu.vector_store %arg12[%swap3A_350, %swap3A_351, %swap3A_352, %swap3A_353], %swap3A_356 {strides = array<i32>} : memref<2x32x224x224xf32, #tpu.memory_space<vmem>>, vector<1x1x224x224xf32>,
    %slice3A_357 = vector.extract_strided_slice %concatenate3A {offsets = [5, 0, 0], sizes = [1, 4, 224], strides = [1, 1, 1]} : vector<32x4x224xf32> to vector<1x4x224xf32>
    %squeeze3A_358 = vector.shape_cast %slice3A_357 : vector<1x4x224xf32> to vector<4x224xf32>
    %dot_general3A_359 = arith.constant dense<0.000000e+00> : vector<224x224xf32>
    %dot_general3A_360 = tpu.matmul %get3A_182, %squeeze3A_358, %dot_general3A_359 {dimension_numbers = #tpu.dot_dimension_numbers<[1], [0], [0], [1], [0, 0, 1, 1], [], []>, transpose_lhs_hint = false} : vector<224x4xf32>, vector<4x224xf32>, vector<224x224xf32> -> vector<224x224xf32>
    %slice3A_361 = vector.extract_strided_slice %concatenate3A_221 {offsets = [5, 0, 0], sizes = [1, 4, 224], strides = [1, 1, 1]} : vector<32x4x224xf32> to vector<1x4x224xf32>
    %squeeze3A_362 = vector.shape_cast %slice3A_361 : vector<1x4x224xf32> to vector<4x224xf32>
    %dot_general3A_363 = arith.constant dense<0.000000e+00> : vector<224x224xf32>
    %dot_general3A_364 = tpu.matmul %get3A_182, %squeeze3A_362, %dot_general3A_363 {dimension_numbers = #tpu.dot_dimension_numbers<[1], [0], [0], [1], [0, 0, 1, 1], [], []>, transpose_lhs_hint = false} : vector<224x4xf32>, vector<4x224xf32>, vector<224x224xf32> -> vector<224x224xf32>
    %get3A_365 = arith.constant 0 : index
    %get3A_366 = arith.constant 5 : index
    %get3A_367 = arith.constant 0 : index
    %get3A_368 = arith.constant 0 : index
    %get3A_369 = vector.load %arg5[%get3A_365, %get3A_366, %get3A_367, %get3A_368] : memref<2x32x224x224xf32, #tpu.memory_space<vmem>>, vector<1x1x224x224xf32>
    %get3A_370 = vector.shape_cast %get3A_369 : vector<1x1x224x224xf32> to vector<224x224xf32>
    %sub3A_371 = arith.subf %get3A_370, %dot_general3A_360 : vector<224x224xf32>
    %mul3A_372 = arith.mulf %sub3A_371, %dot_general3A_364 : vector<224x224xf32>
    %slice3A_373 = vector.extract_strided_slice %get3A_29 {offsets = [5, 0, 0], sizes = [1, 1, 1], strides = [1, 1, 1]} : vector<32x1x1xf32> to vector<1x1x1xf32>
    %squeeze3A_374 = vector.shape_cast %slice3A_373 : vector<1x1x1xf32> to vector<1x1xf32>
    %add3A_375 = vector.broadcast %squeeze3A_374 : vector<1x1xf32> to vector<224x224xf32>
    %add3A_376 = arith.addf %mul3A_372, %add3A_375 : vector<224x224xf32>
    %swap3A_377 = arith.constant 0 : index
    %swap3A_378 = arith.constant 5 : index
    %swap3A_379 = arith.constant 0 : index
    %swap3A_380 = arith.constant 0 : index
    %swap3A_381 = vector.load %arg12[%swap3A_377, %swap3A_378, %swap3A_379, %swap3A_380] : memref<2x32x224x224xf32, #tpu.memory_space<vmem>>, vector<1x1x224x224xf32>
    %swap3A_382 = vector.shape_cast %swap3A_381 : vector<1x1x224x224xf32> to vector<224x224xf32>
    %swap3A_383 = vector.shape_cast %add3A_376 : vector<224x224xf32> to vector<1x1x224x224xf32>
    tpu.vector_store %arg12[%swap3A_377, %swap3A_378, %swap3A_379, %swap3A_380], %swap3A_383 {strides = array<i32>} : memref<2x32x224x224xf32, #tpu.memory_space<vmem>>, vector<1x1x224x224xf32>,
    %slice3A_384 = vector.extract_strided_slice %concatenate3A {offsets = [6, 0, 0], sizes = [1, 4, 224], strides = [1, 1, 1]} : vector<32x4x224xf32> to vector<1x4x224xf32>
    %squeeze3A_385 = vector.shape_cast %slice3A_384 : vector<1x4x224xf32> to vector<4x224xf32>
    %dot_general3A_386 = arith.constant dense<0.000000e+00> : vector<224x224xf32>
    %dot_general3A_387 = tpu.matmul %get3A_182, %squeeze3A_385, %dot_general3A_386 {dimension_numbers = #tpu.dot_dimension_numbers<[1], [0], [0], [1], [0, 0, 1, 1], [], []>, transpose_lhs_hint = false} : vector<224x4xf32>, vector<4x224xf32>, vector<224x224xf32> -> vector<224x224xf32>
    %slice3A_388 = vector.extract_strided_slice %concatenate3A_221 {offsets = [6, 0, 0], sizes = [1, 4, 224], strides = [1, 1, 1]} : vector<32x4x224xf32> to vector<1x4x224xf32>
    %squeeze3A_389 = vector.shape_cast %slice3A_388 : vector<1x4x224xf32> to vector<4x224xf32>
    %dot_general3A_390 = arith.constant dense<0.000000e+00> : vector<224x224xf32>
    %dot_general3A_391 = tpu.matmul %get3A_182, %squeeze3A_389, %dot_general3A_390 {dimension_numbers = #tpu.dot_dimension_numbers<[1], [0], [0], [1], [0, 0, 1, 1], [], []>, transpose_lhs_hint = false} : vector<224x4xf32>, vector<4x224xf32>, vector<224x224xf32> -> vector<224x224xf32>
    %get3A_392 = arith.constant 0 : index
    %get3A_393 = arith.constant 6 : index
    %get3A_394 = arith.constant 0 : index
    %get3A_395 = arith.constant 0 : index
    %get3A_396 = vector.load %arg5[%get3A_392, %get3A_393, %get3A_394, %get3A_395] : memref<2x32x224x224xf32, #tpu.memory_space<vmem>>, vector<1x1x224x224xf32>
    %get3A_397 = vector.shape_cast %get3A_396 : vector<1x1x224x224xf32> to vector<224x224xf32>
    %sub3A_398 = arith.subf %get3A_397, %dot_general3A_387 : vector<224x224xf32>
    %mul3A_399 = arith.mulf %sub3A_398, %dot_general3A_391 : vector<224x224xf32>
    %slice3A_400 = vector.extract_strided_slice %get3A_29 {offsets = [6, 0, 0], sizes = [1, 1, 1], strides = [1, 1, 1]} : vector<32x1x1xf32> to vector<1x1x1xf32>
    %squeeze3A_401 = vector.shape_cast %slice3A_400 : vector<1x1x1xf32> to vector<1x1xf32>
    %add3A_402 = vector.broadcast %squeeze3A_401 : vector<1x1xf32> to vector<224x224xf32>
    %add3A_403 = arith.addf %mul3A_399, %add3A_402 : vector<224x224xf32>
    %swap3A_404 = arith.constant 0 : index
    %swap3A_405 = arith.constant 6 : index
    %swap3A_406 = arith.constant 0 : index
    %swap3A_407 = arith.constant 0 : index
    %swap3A_408 = vector.load %arg12[%swap3A_404, %swap3A_405, %swap3A_406, %swap3A_407] : memref<2x32x224x224xf32, #tpu.memory_space<vmem>>, vector<1x1x224x224xf32>
    %swap3A_409 = vector.shape_cast %swap3A_408 : vector<1x1x224x224xf32> to vector<224x224xf32>
    %swap3A_410 = vector.shape_cast %add3A_403 : vector<224x224xf32> to vector<1x1x224x224xf32>
    tpu.vector_store %arg12[%swap3A_404, %swap3A_405, %swap3A_406, %swap3A_407], %swap3A_410 {strides = array<i32>} : memref<2x32x224x224xf32, #tpu.memory_space<vmem>>, vector<1x1x224x224xf32>,
    %slice3A_411 = vector.extract_strided_slice %concatenate3A {offsets = [7, 0, 0], sizes = [1, 4, 224], strides = [1, 1, 1]} : vector<32x4x224xf32> to vector<1x4x224xf32>
    %squeeze3A_412 = vector.shape_cast %slice3A_411 : vector<1x4x224xf32> to vector<4x224xf32>
    %dot_general3A_413 = arith.constant dense<0.000000e+00> : vector<224x224xf32>
    %dot_general3A_414 = tpu.matmul %get3A_182, %squeeze3A_412, %dot_general3A_413 {dimension_numbers = #tpu.dot_dimension_numbers<[1], [0], [0], [1], [0, 0, 1, 1], [], []>, transpose_lhs_hint = false} : vector<224x4xf32>, vector<4x224xf32>, vector<224x224xf32> -> vector<224x224xf32>
    %slice3A_415 = vector.extract_strided_slice %concatenate3A_221 {offsets = [7, 0, 0], sizes = [1, 4, 224], strides = [1, 1, 1]} : vector<32x4x224xf32> to vector<1x4x224xf32>
    %squeeze3A_416 = vector.shape_cast %slice3A_415 : vector<1x4x224xf32> to vector<4x224xf32>
    %dot_general3A_417 = arith.constant dense<0.000000e+00> : vector<224x224xf32>
    %dot_general3A_418 = tpu.matmul %get3A_182, %squeeze3A_416, %dot_general3A_417 {dimension_numbers = #tpu.dot_dimension_numbers<[1], [0], [0], [1], [0, 0, 1, 1], [], []>, transpose_lhs_hint = false} : vector<224x4xf32>, vector<4x224xf32>, vector<224x224xf32> -> vector<224x224xf32>
    %get3A_419 = arith.constant 0 : index
    %get3A_420 = arith.constant 7 : index
    %get3A_421 = arith.constant 0 : index
    %get3A_422 = arith.constant 0 : index
    %get3A_423 = vector.load %arg5[%get3A_419, %get3A_420, %get3A_421, %get3A_422] : memref<2x32x224x224xf32, #tpu.memory_space<vmem>>, vector<1x1x224x224xf32>
    %get3A_424 = vector.shape_cast %get3A_423 : vector<1x1x224x224xf32> to vector<224x224xf32>
    %sub3A_425 = arith.subf %get3A_424, %dot_general3A_414 : vector<224x224xf32>
    %mul3A_426 = arith.mulf %sub3A_425, %dot_general3A_418 : vector<224x224xf32>
    %slice3A_427 = vector.extract_strided_slice %get3A_29 {offsets = [7, 0, 0], sizes = [1, 1, 1], strides = [1, 1, 1]} : vector<32x1x1xf32> to vector<1x1x1xf32>
    %squeeze3A_428 = vector.shape_cast %slice3A_427 : vector<1x1x1xf32> to vector<1x1xf32>
    %add3A_429 = vector.broadcast %squeeze3A_428 : vector<1x1xf32> to vector<224x224xf32>
    %add3A_430 = arith.addf %mul3A_426, %add3A_429 : vector<224x224xf32>
    %swap3A_431 = arith.constant 0 : index
    %swap3A_432 = arith.constant 7 : index
    %swap3A_433 = arith.constant 0 : index
    %swap3A_434 = arith.constant 0 : index
    %swap3A_435 = vector.load %arg12[%swap3A_431, %swap3A_432, %swap3A_433, %swap3A_434] : memref<2x32x224x224xf32, #tpu.memory_space<vmem>>, vector<1x1x224x224xf32>
    %swap3A_436 = vector.shape_cast %swap3A_435 : vector<1x1x224x224xf32> to vector<224x224xf32>
    %swap3A_437 = vector.shape_cast %add3A_430 : vector<224x224xf32> to vector<1x1x224x224xf32>
    tpu.vector_store %arg12[%swap3A_431, %swap3A_432, %swap3A_433, %swap3A_434], %swap3A_437 {strides = array<i32>} : memref<2x32x224x224xf32, #tpu.memory_space<vmem>>, vector<1x1x224x224xf32>,
    %slice3A_438 = vector.extract_strided_slice %concatenate3A {offsets = [8, 0, 0], sizes = [1, 4, 224], strides = [1, 1, 1]} : vector<32x4x224xf32> to vector<1x4x224xf32>
    %squeeze3A_439 = vector.shape_cast %slice3A_438 : vector<1x4x224xf32> to vector<4x224xf32>
    %dot_general3A_440 = arith.constant dense<0.000000e+00> : vector<224x224xf32>
    %dot_general3A_441 = tpu.matmul %get3A_182, %squeeze3A_439, %dot_general3A_440 {dimension_numbers = #tpu.dot_dimension_numbers<[1], [0], [0], [1], [0, 0, 1, 1], [], []>, transpose_lhs_hint = false} : vector<224x4xf32>, vector<4x224xf32>, vector<224x224xf32> -> vector<224x224xf32>
    %slice3A_442 = vector.extract_strided_slice %concatenate3A_221 {offsets = [8, 0, 0], sizes = [1, 4, 224], strides = [1, 1, 1]} : vector<32x4x224xf32> to vector<1x4x224xf32>
    %squeeze3A_443 = vector.shape_cast %slice3A_442 : vector<1x4x224xf32> to vector<4x224xf32>
    %dot_general3A_444 = arith.constant dense<0.000000e+00> : vector<224x224xf32>
    %dot_general3A_445 = tpu.matmul %get3A_182, %squeeze3A_443, %dot_general3A_444 {dimension_numbers = #tpu.dot_dimension_numbers<[1], [0], [0], [1], [0, 0, 1, 1], [], []>, transpose_lhs_hint = false} : vector<224x4xf32>, vector<4x224xf32>, vector<224x224xf32> -> vector<224x224xf32>
    %get3A_446 = arith.constant 0 : index
    %get3A_447 = arith.constant 8 : index
    %get3A_448 = arith.constant 0 : index
    %get3A_449 = arith.constant 0 : index
    %get3A_450 = vector.load %arg5[%get3A_446, %get3A_447, %get3A_448, %get3A_449] : memref<2x32x224x224xf32, #tpu.memory_space<vmem>>, vector<1x1x224x224xf32>
    %get3A_451 = vector.shape_cast %get3A_450 : vector<1x1x224x224xf32> to vector<224x224xf32>
    %sub3A_452 = arith.subf %get3A_451, %dot_general3A_441 : vector<224x224xf32>
    %mul3A_453 = arith.mulf %sub3A_452, %dot_general3A_445 : vector<224x224xf32>
    %slice3A_454 = vector.extract_strided_slice %get3A_29 {offsets = [8, 0, 0], sizes = [1, 1, 1], strides = [1, 1, 1]} : vector<32x1x1xf32> to vector<1x1x1xf32>
    %squeeze3A_455 = vector.shape_cast %slice3A_454 : vector<1x1x1xf32> to vector<1x1xf32>
    %add3A_456 = vector.broadcast %squeeze3A_455 : vector<1x1xf32> to vector<224x224xf32>
    %add3A_457 = arith.addf %mul3A_453, %add3A_456 : vector<224x224xf32>
    %swap3A_458 = arith.constant 0 : index
    %swap3A_459 = arith.constant 8 : index
    %swap3A_460 = arith.constant 0 : index
    %swap3A_461 = arith.constant 0 : index
    %swap3A_462 = vector.load %arg12[%swap3A_458, %swap3A_459, %swap3A_460, %swap3A_461] : memref<2x32x224x224xf32, #tpu.memory_space<vmem>>, vector<1x1x224x224xf32>
    %swap3A_463 = vector.shape_cast %swap3A_462 : vector<1x1x224x224xf32> to vector<224x224xf32>
    %swap3A_464 = vector.shape_cast %add3A_457 : vector<224x224xf32> to vector<1x1x224x224xf32>
    tpu.vector_store %arg12[%swap3A_458, %swap3A_459, %swap3A_460, %swap3A_461], %swap3A_464 {strides = array<i32>} : memref<2x32x224x224xf32, #tpu.memory_space<vmem>>, vector<1x1x224x224xf32>,
    %slice3A_465 = vector.extract_strided_slice %concatenate3A {offsets = [9, 0, 0], sizes = [1, 4, 224], strides = [1, 1, 1]} : vector<32x4x224xf32> to vector<1x4x224xf32>
    %squeeze3A_466 = vector.shape_cast %slice3A_465 : vector<1x4x224xf32> to vector<4x224xf32>
    %dot_general3A_467 = arith.constant dense<0.000000e+00> : vector<224x224xf32>
    %dot_general3A_468 = tpu.matmul %get3A_182, %squeeze3A_466, %dot_general3A_467 {dimension_numbers = #tpu.dot_dimension_numbers<[1], [0], [0], [1], [0, 0, 1, 1], [], []>, transpose_lhs_hint = false} : vector<224x4xf32>, vector<4x224xf32>, vector<224x224xf32> -> vector<224x224xf32>
    %slice3A_469 = vector.extract_strided_slice %concatenate3A_221 {offsets = [9, 0, 0], sizes = [1, 4, 224], strides = [1, 1, 1]} : vector<32x4x224xf32> to vector<1x4x224xf32>
    %squeeze3A_470 = vector.shape_cast %slice3A_469 : vector<1x4x224xf32> to vector<4x224xf32>
    %dot_general3A_471 = arith.constant dense<0.000000e+00> : vector<224x224xf32>
    %dot_general3A_472 = tpu.matmul %get3A_182, %squeeze3A_470, %dot_general3A_471 {dimension_numbers = #tpu.dot_dimension_numbers<[1], [0], [0], [1], [0, 0, 1, 1], [], []>, transpose_lhs_hint = false} : vector<224x4xf32>, vector<4x224xf32>, vector<224x224xf32> -> vector<224x224xf32>
    %get3A_473 = arith.constant 0 : index
    %get3A_474 = arith.constant 9 : index
    %get3A_475 = arith.constant 0 : index
    %get3A_476 = arith.constant 0 : index
    %get3A_477 = vector.load %arg5[%get3A_473, %get3A_474, %get3A_475, %get3A_476] : memref<2x32x224x224xf32, #tpu.memory_space<vmem>>, vector<1x1x224x224xf32>
    %get3A_478 = vector.shape_cast %get3A_477 : vector<1x1x224x224xf32> to vector<224x224xf32>
    %sub3A_479 = arith.subf %get3A_478, %dot_general3A_468 : vector<224x224xf32>
    %mul3A_480 = arith.mulf %sub3A_479, %dot_general3A_472 : vector<224x224xf32>
    %slice3A_481 = vector.extract_strided_slice %get3A_29 {offsets = [9, 0, 0], sizes = [1, 1, 1], strides = [1, 1, 1]} : vector<32x1x1xf32> to vector<1x1x1xf32>
    %squeeze3A_482 = vector.shape_cast %slice3A_481 : vector<1x1x1xf32> to vector<1x1xf32>
    %add3A_483 = vector.broadcast %squeeze3A_482 : vector<1x1xf32> to vector<224x224xf32>
    %add3A_484 = arith.addf %mul3A_480, %add3A_483 : vector<224x224xf32>
    %swap3A_485 = arith.constant 0 : index
    %swap3A_486 = arith.constant 9 : index
    %swap3A_487 = arith.constant 0 : index
    %swap3A_488 = arith.constant 0 : index
    %swap3A_489 = vector.load %arg12[%swap3A_485, %swap3A_486, %swap3A_487, %swap3A_488] : memref<2x32x224x224xf32, #tpu.memory_space<vmem>>, vector<1x1x224x224xf32>
    %swap3A_490 = vector.shape_cast %swap3A_489 : vector<1x1x224x224xf32> to vector<224x224xf32>
    %swap3A_491 = vector.shape_cast %add3A_484 : vector<224x224xf32> to vector<1x1x224x224xf32>
    tpu.vector_store %arg12[%swap3A_485, %swap3A_486, %swap3A_487, %swap3A_488], %swap3A_491 {strides = array<i32>} : memref<2x32x224x224xf32, #tpu.memory_space<vmem>>, vector<1x1x224x224xf32>,
    %slice3A_492 = vector.extract_strided_slice %concatenate3A {offsets = [10, 0, 0], sizes = [1, 4, 224], strides = [1, 1, 1]} : vector<32x4x224xf32> to vector<1x4x224xf32>
    %squeeze3A_493 = vector.shape_cast %slice3A_492 : vector<1x4x224xf32> to vector<4x224xf32>
    %dot_general3A_494 = arith.constant dense<0.000000e+00> : vector<224x224xf32>
    %dot_general3A_495 = tpu.matmul %get3A_182, %squeeze3A_493, %dot_general3A_494 {dimension_numbers = #tpu.dot_dimension_numbers<[1], [0], [0], [1], [0, 0, 1, 1], [], []>, transpose_lhs_hint = false} : vector<224x4xf32>, vector<4x224xf32>, vector<224x224xf32> -> vector<224x224xf32>
    %slice3A_496 = vector.extract_strided_slice %concatenate3A_221 {offsets = [10, 0, 0], sizes = [1, 4, 224], strides = [1, 1, 1]} : vector<32x4x224xf32> to vector<1x4x224xf32>
    %squeeze3A_497 = vector.shape_cast %slice3A_496 : vector<1x4x224xf32> to vector<4x224xf32>
    %dot_general3A_498 = arith.constant dense<0.000000e+00> : vector<224x224xf32>
    %dot_general3A_499 = tpu.matmul %get3A_182, %squeeze3A_497, %dot_general3A_498 {dimension_numbers = #tpu.dot_dimension_numbers<[1], [0], [0], [1], [0, 0, 1, 1], [], []>, transpose_lhs_hint = false} : vector<224x4xf32>, vector<4x224xf32>, vector<224x224xf32> -> vector<224x224xf32>
    %get3A_500 = arith.constant 0 : index
    %get3A_501 = arith.constant 10 : index
    %get3A_502 = arith.constant 0 : index
    %get3A_503 = arith.constant 0 : index
    %get3A_504 = vector.load %arg5[%get3A_500, %get3A_501, %get3A_502, %get3A_503] : memref<2x32x224x224xf32, #tpu.memory_space<vmem>>, vector<1x1x224x224xf32>
    %get3A_505 = vector.shape_cast %get3A_504 : vector<1x1x224x224xf32> to vector<224x224xf32>
    %sub3A_506 = arith.subf %get3A_505, %dot_general3A_495 : vector<224x224xf32>
    %mul3A_507 = arith.mulf %sub3A_506, %dot_general3A_499 : vector<224x224xf32>
    %slice3A_508 = vector.extract_strided_slice %get3A_29 {offsets = [10, 0, 0], sizes = [1, 1, 1], strides = [1, 1, 1]} : vector<32x1x1xf32> to vector<1x1x1xf32>
    %squeeze3A_509 = vector.shape_cast %slice3A_508 : vector<1x1x1xf32> to vector<1x1xf32>
    %add3A_510 = vector.broadcast %squeeze3A_509 : vector<1x1xf32> to vector<224x224xf32>
    %add3A_511 = arith.addf %mul3A_507, %add3A_510 : vector<224x224xf32>
    %swap3A_512 = arith.constant 0 : index
    %swap3A_513 = arith.constant 10 : index
    %swap3A_514 = arith.constant 0 : index
    %swap3A_515 = arith.constant 0 : index
    %swap3A_516 = vector.load %arg12[%swap3A_512, %swap3A_513, %swap3A_514, %swap3A_515] : memref<2x32x224x224xf32, #tpu.memory_space<vmem>>, vector<1x1x224x224xf32>
    %swap3A_517 = vector.shape_cast %swap3A_516 : vector<1x1x224x224xf32> to vector<224x224xf32>
    %swap3A_518 = vector.shape_cast %add3A_511 : vector<224x224xf32> to vector<1x1x224x224xf32>
    tpu.vector_store %arg12[%swap3A_512, %swap3A_513, %swap3A_514, %swap3A_515], %swap3A_518 {strides = array<i32>} : memref<2x32x224x224xf32, #tpu.memory_space<vmem>>, vector<1x1x224x224xf32>,
    %slice3A_519 = vector.extract_strided_slice %concatenate3A {offsets = [11, 0, 0], sizes = [1, 4, 224], strides = [1, 1, 1]} : vector<32x4x224xf32> to vector<1x4x224xf32>
    %squeeze3A_520 = vector.shape_cast %slice3A_519 : vector<1x4x224xf32> to vector<4x224xf32>
    %dot_general3A_521 = arith.constant dense<0.000000e+00> : vector<224x224xf32>
    %dot_general3A_522 = tpu.matmul %get3A_182, %squeeze3A_520, %dot_general3A_521 {dimension_numbers = #tpu.dot_dimension_numbers<[1], [0], [0], [1], [0, 0, 1, 1], [], []>, transpose_lhs_hint = false} : vector<224x4xf32>, vector<4x224xf32>, vector<224x224xf32> -> vector<224x224xf32>
    %slice3A_523 = vector.extract_strided_slice %concatenate3A_221 {offsets = [11, 0, 0], sizes = [1, 4, 224], strides = [1, 1, 1]} : vector<32x4x224xf32> to vector<1x4x224xf32>
    %squeeze3A_524 = vector.shape_cast %slice3A_523 : vector<1x4x224xf32> to vector<4x224xf32>
    %dot_general3A_525 = arith.constant dense<0.000000e+00> : vector<224x224xf32>
    %dot_general3A_526 = tpu.matmul %get3A_182, %squeeze3A_524, %dot_general3A_525 {dimension_numbers = #tpu.dot_dimension_numbers<[1], [0], [0], [1], [0, 0, 1, 1], [], []>, transpose_lhs_hint = false} : vector<224x4xf32>, vector<4x224xf32>, vector<224x224xf32> -> vector<224x224xf32>
    %get3A_527 = arith.constant 0 : index
    %get3A_528 = arith.constant 11 : index
    %get3A_529 = arith.constant 0 : index
    %get3A_530 = arith.constant 0 : index
    %get3A_531 = vector.load %arg5[%get3A_527, %get3A_528, %get3A_529, %get3A_530] : memref<2x32x224x224xf32, #tpu.memory_space<vmem>>, vector<1x1x224x224xf32>
    %get3A_532 = vector.shape_cast %get3A_531 : vector<1x1x224x224xf32> to vector<224x224xf32>
    %sub3A_533 = arith.subf %get3A_532, %dot_general3A_522 : vector<224x224xf32>
    %mul3A_534 = arith.mulf %sub3A_533, %dot_general3A_526 : vector<224x224xf32>
    %slice3A_535 = vector.extract_strided_slice %get3A_29 {offsets = [11, 0, 0], sizes = [1, 1, 1], strides = [1, 1, 1]} : vector<32x1x1xf32> to vector<1x1x1xf32>
    %squeeze3A_536 = vector.shape_cast %slice3A_535 : vector<1x1x1xf32> to vector<1x1xf32>
    %add3A_537 = vector.broadcast %squeeze3A_536 : vector<1x1xf32> to vector<224x224xf32>
    %add3A_538 = arith.addf %mul3A_534, %add3A_537 : vector<224x224xf32>
    %swap3A_539 = arith.constant 0 : index
    %swap3A_540 = arith.constant 11 : index
    %swap3A_541 = arith.constant 0 : index
    %swap3A_542 = arith.constant 0 : index
    %swap3A_543 = vector.load %arg12[%swap3A_539, %swap3A_540, %swap3A_541, %swap3A_542] : memref<2x32x224x224xf32, #tpu.memory_space<vmem>>, vector<1x1x224x224xf32>
    %swap3A_544 = vector.shape_cast %swap3A_543 : vector<1x1x224x224xf32> to vector<224x224xf32>
    %swap3A_545 = vector.shape_cast %add3A_538 : vector<224x224xf32> to vector<1x1x224x224xf32>
    tpu.vector_store %arg12[%swap3A_539, %swap3A_540, %swap3A_541, %swap3A_542], %swap3A_545 {strides = array<i32>} : memref<2x32x224x224xf32, #tpu.memory_space<vmem>>, vector<1x1x224x224xf32>,
    %slice3A_546 = vector.extract_strided_slice %concatenate3A {offsets = [12, 0, 0], sizes = [1, 4, 224], strides = [1, 1, 1]} : vector<32x4x224xf32> to vector<1x4x224xf32>
    %squeeze3A_547 = vector.shape_cast %slice3A_546 : vector<1x4x224xf32> to vector<4x224xf32>
    %dot_general3A_548 = arith.constant dense<0.000000e+00> : vector<224x224xf32>
    %dot_general3A_549 = tpu.matmul %get3A_182, %squeeze3A_547, %dot_general3A_548 {dimension_numbers = #tpu.dot_dimension_numbers<[1], [0], [0], [1], [0, 0, 1, 1], [], []>, transpose_lhs_hint = false} : vector<224x4xf32>, vector<4x224xf32>, vector<224x224xf32> -> vector<224x224xf32>
    %slice3A_550 = vector.extract_strided_slice %concatenate3A_221 {offsets = [12, 0, 0], sizes = [1, 4, 224], strides = [1, 1, 1]} : vector<32x4x224xf32> to vector<1x4x224xf32>
    %squeeze3A_551 = vector.shape_cast %slice3A_550 : vector<1x4x224xf32> to vector<4x224xf32>
    %dot_general3A_552 = arith.constant dense<0.000000e+00> : vector<224x224xf32>
    %dot_general3A_553 = tpu.matmul %get3A_182, %squeeze3A_551, %dot_general3A_552 {dimension_numbers = #tpu.dot_dimension_numbers<[1], [0], [0], [1], [0, 0, 1, 1], [], []>, transpose_lhs_hint = false} : vector<224x4xf32>, vector<4x224xf32>, vector<224x224xf32> -> vector<224x224xf32>
    %get3A_554 = arith.constant 0 : index
    %get3A_555 = arith.constant 12 : index
    %get3A_556 = arith.constant 0 : index
    %get3A_557 = arith.constant 0 : index
    %get3A_558 = vector.load %arg5[%get3A_554, %get3A_555, %get3A_556, %get3A_557] : memref<2x32x224x224xf32, #tpu.memory_space<vmem>>, vector<1x1x224x224xf32>
    %get3A_559 = vector.shape_cast %get3A_558 : vector<1x1x224x224xf32> to vector<224x224xf32>
    %sub3A_560 = arith.subf %get3A_559, %dot_general3A_549 : vector<224x224xf32>
    %mul3A_561 = arith.mulf %sub3A_560, %dot_general3A_553 : vector<224x224xf32>
    %slice3A_562 = vector.extract_strided_slice %get3A_29 {offsets = [12, 0, 0], sizes = [1, 1, 1], strides = [1, 1, 1]} : vector<32x1x1xf32> to vector<1x1x1xf32>
    %squeeze3A_563 = vector.shape_cast %slice3A_562 : vector<1x1x1xf32> to vector<1x1xf32>
    %add3A_564 = vector.broadcast %squeeze3A_563 : vector<1x1xf32> to vector<224x224xf32>
    %add3A_565 = arith.addf %mul3A_561, %add3A_564 : vector<224x224xf32>
    %swap3A_566 = arith.constant 0 : index
    %swap3A_567 = arith.constant 12 : index
    %swap3A_568 = arith.constant 0 : index
    %swap3A_569 = arith.constant 0 : index
    %swap3A_570 = vector.load %arg12[%swap3A_566, %swap3A_567, %swap3A_568, %swap3A_569] : memref<2x32x224x224xf32, #tpu.memory_space<vmem>>, vector<1x1x224x224xf32>
    %swap3A_571 = vector.shape_cast %swap3A_570 : vector<1x1x224x224xf32> to vector<224x224xf32>
    %swap3A_572 = vector.shape_cast %add3A_565 : vector<224x224xf32> to vector<1x1x224x224xf32>
    tpu.vector_store %arg12[%swap3A_566, %swap3A_567, %swap3A_568, %swap3A_569], %swap3A_572 {strides = array<i32>} : memref<2x32x224x224xf32, #tpu.memory_space<vmem>>, vector<1x1x224x224xf32>,
    %slice3A_573 = vector.extract_strided_slice %concatenate3A {offsets = [13, 0, 0], sizes = [1, 4, 224], strides = [1, 1, 1]} : vector<32x4x224xf32> to vector<1x4x224xf32>
    %squeeze3A_574 = vector.shape_cast %slice3A_573 : vector<1x4x224xf32> to vector<4x224xf32>
    %dot_general3A_575 = arith.constant dense<0.000000e+00> : vector<224x224xf32>
    %dot_general3A_576 = tpu.matmul %get3A_182, %squeeze3A_574, %dot_general3A_575 {dimension_numbers = #tpu.dot_dimension_numbers<[1], [0], [0], [1], [0, 0, 1, 1], [], []>, transpose_lhs_hint = false} : vector<224x4xf32>, vector<4x224xf32>, vector<224x224xf32> -> vector<224x224xf32>
    %slice3A_577 = vector.extract_strided_slice %concatenate3A_221 {offsets = [13, 0, 0], sizes = [1, 4, 224], strides = [1, 1, 1]} : vector<32x4x224xf32> to vector<1x4x224xf32>
    %squeeze3A_578 = vector.shape_cast %slice3A_577 : vector<1x4x224xf32> to vector<4x224xf32>
    %dot_general3A_579 = arith.constant dense<0.000000e+00> : vector<224x224xf32>
    %dot_general3A_580 = tpu.matmul %get3A_182, %squeeze3A_578, %dot_general3A_579 {dimension_numbers = #tpu.dot_dimension_numbers<[1], [0], [0], [1], [0, 0, 1, 1], [], []>, transpose_lhs_hint = false} : vector<224x4xf32>, vector<4x224xf32>, vector<224x224xf32> -> vector<224x224xf32>
    %get3A_581 = arith.constant 0 : index
    %get3A_582 = arith.constant 13 : index
    %get3A_583 = arith.constant 0 : index
    %get3A_584 = arith.constant 0 : index
    %get3A_585 = vector.load %arg5[%get3A_581, %get3A_582, %get3A_583, %get3A_584] : memref<2x32x224x224xf32, #tpu.memory_space<vmem>>, vector<1x1x224x224xf32>
    %get3A_586 = vector.shape_cast %get3A_585 : vector<1x1x224x224xf32> to vector<224x224xf32>
    %sub3A_587 = arith.subf %get3A_586, %dot_general3A_576 : vector<224x224xf32>
    %mul3A_588 = arith.mulf %sub3A_587, %dot_general3A_580 : vector<224x224xf32>
    %slice3A_589 = vector.extract_strided_slice %get3A_29 {offsets = [13, 0, 0], sizes = [1, 1, 1], strides = [1, 1, 1]} : vector<32x1x1xf32> to vector<1x1x1xf32>
    %squeeze3A_590 = vector.shape_cast %slice3A_589 : vector<1x1x1xf32> to vector<1x1xf32>
    %add3A_591 = vector.broadcast %squeeze3A_590 : vector<1x1xf32> to vector<224x224xf32>
    %add3A_592 = arith.addf %mul3A_588, %add3A_591 : vector<224x224xf32>
    %swap3A_593 = arith.constant 0 : index
    %swap3A_594 = arith.constant 13 : index
    %swap3A_595 = arith.constant 0 : index
    %swap3A_596 = arith.constant 0 : index
    %swap3A_597 = vector.load %arg12[%swap3A_593, %swap3A_594, %swap3A_595, %swap3A_596] : memref<2x32x224x224xf32, #tpu.memory_space<vmem>>, vector<1x1x224x224xf32>
    %swap3A_598 = vector.shape_cast %swap3A_597 : vector<1x1x224x224xf32> to vector<224x224xf32>
    %swap3A_599 = vector.shape_cast %add3A_592 : vector<224x224xf32> to vector<1x1x224x224xf32>
    tpu.vector_store %arg12[%swap3A_593, %swap3A_594, %swap3A_595, %swap3A_596], %swap3A_599 {strides = array<i32>} : memref<2x32x224x224xf32, #tpu.memory_space<vmem>>, vector<1x1x224x224xf32>,
    %slice3A_600 = vector.extract_strided_slice %concatenate3A {offsets = [14, 0, 0], sizes = [1, 4, 224], strides = [1, 1, 1]} : vector<32x4x224xf32> to vector<1x4x224xf32>
    %squeeze3A_601 = vector.shape_cast %slice3A_600 : vector<1x4x224xf32> to vector<4x224xf32>
    %dot_general3A_602 = arith.constant dense<0.000000e+00> : vector<224x224xf32>
    %dot_general3A_603 = tpu.matmul %get3A_182, %squeeze3A_601, %dot_general3A_602 {dimension_numbers = #tpu.dot_dimension_numbers<[1], [0], [0], [1], [0, 0, 1, 1], [], []>, transpose_lhs_hint = false} : vector<224x4xf32>, vector<4x224xf32>, vector<224x224xf32> -> vector<224x224xf32>
    %slice3A_604 = vector.extract_strided_slice %concatenate3A_221 {offsets = [14, 0, 0], sizes = [1, 4, 224], strides = [1, 1, 1]} : vector<32x4x224xf32> to vector<1x4x224xf32>
    %squeeze3A_605 = vector.shape_cast %slice3A_604 : vector<1x4x224xf32> to vector<4x224xf32>
    %dot_general3A_606 = arith.constant dense<0.000000e+00> : vector<224x224xf32>
    %dot_general3A_607 = tpu.matmul %get3A_182, %squeeze3A_605, %dot_general3A_606 {dimension_numbers = #tpu.dot_dimension_numbers<[1], [0], [0], [1], [0, 0, 1, 1], [], []>, transpose_lhs_hint = false} : vector<224x4xf32>, vector<4x224xf32>, vector<224x224xf32> -> vector<224x224xf32>
    %get3A_608 = arith.constant 0 : index
    %get3A_609 = arith.constant 14 : index
    %get3A_610 = arith.constant 0 : index
    %get3A_611 = arith.constant 0 : index
    %get3A_612 = vector.load %arg5[%get3A_608, %get3A_609, %get3A_610, %get3A_611] : memref<2x32x224x224xf32, #tpu.memory_space<vmem>>, vector<1x1x224x224xf32>
    %get3A_613 = vector.shape_cast %get3A_612 : vector<1x1x224x224xf32> to vector<224x224xf32>
    %sub3A_614 = arith.subf %get3A_613, %dot_general3A_603 : vector<224x224xf32>
    %mul3A_615 = arith.mulf %sub3A_614, %dot_general3A_607 : vector<224x224xf32>
    %slice3A_616 = vector.extract_strided_slice %get3A_29 {offsets = [14, 0, 0], sizes = [1, 1, 1], strides = [1, 1, 1]} : vector<32x1x1xf32> to vector<1x1x1xf32>
    %squeeze3A_617 = vector.shape_cast %slice3A_616 : vector<1x1x1xf32> to vector<1x1xf32>
    %add3A_618 = vector.broadcast %squeeze3A_617 : vector<1x1xf32> to vector<224x224xf32>
    %add3A_619 = arith.addf %mul3A_615, %add3A_618 : vector<224x224xf32>
    %swap3A_620 = arith.constant 0 : index
    %swap3A_621 = arith.constant 14 : index
    %swap3A_622 = arith.constant 0 : index
    %swap3A_623 = arith.constant 0 : index
    %swap3A_624 = vector.load %arg12[%swap3A_620, %swap3A_621, %swap3A_622, %swap3A_623] : memref<2x32x224x224xf32, #tpu.memory_space<vmem>>, vector<1x1x224x224xf32>
    %swap3A_625 = vector.shape_cast %swap3A_624 : vector<1x1x224x224xf32> to vector<224x224xf32>
    %swap3A_626 = vector.shape_cast %add3A_619 : vector<224x224xf32> to vector<1x1x224x224xf32>
    tpu.vector_store %arg12[%swap3A_620, %swap3A_621, %swap3A_622, %swap3A_623], %swap3A_626 {strides = array<i32>} : memref<2x32x224x224xf32, #tpu.memory_space<vmem>>, vector<1x1x224x224xf32>,
    %slice3A_627 = vector.extract_strided_slice %concatenate3A {offsets = [15, 0, 0], sizes = [1, 4, 224], strides = [1, 1, 1]} : vector<32x4x224xf32> to vector<1x4x224xf32>
    %squeeze3A_628 = vector.shape_cast %slice3A_627 : vector<1x4x224xf32> to vector<4x224xf32>
    %dot_general3A_629 = arith.constant dense<0.000000e+00> : vector<224x224xf32>
    %dot_general3A_630 = tpu.matmul %get3A_182, %squeeze3A_628, %dot_general3A_629 {dimension_numbers = #tpu.dot_dimension_numbers<[1], [0], [0], [1], [0, 0, 1, 1], [], []>, transpose_lhs_hint = false} : vector<224x4xf32>, vector<4x224xf32>, vector<224x224xf32> -> vector<224x224xf32>
    %slice3A_631 = vector.extract_strided_slice %concatenate3A_221 {offsets = [15, 0, 0], sizes = [1, 4, 224], strides = [1, 1, 1]} : vector<32x4x224xf32> to vector<1x4x224xf32>
    %squeeze3A_632 = vector.shape_cast %slice3A_631 : vector<1x4x224xf32> to vector<4x224xf32>
    %dot_general3A_633 = arith.constant dense<0.000000e+00> : vector<224x224xf32>
    %dot_general3A_634 = tpu.matmul %get3A_182, %squeeze3A_632, %dot_general3A_633 {dimension_numbers = #tpu.dot_dimension_numbers<[1], [0], [0], [1], [0, 0, 1, 1], [], []>, transpose_lhs_hint = false} : vector<224x4xf32>, vector<4x224xf32>, vector<224x224xf32> -> vector<224x224xf32>
    %get3A_635 = arith.constant 0 : index
    %get3A_636 = arith.constant 15 : index
    %get3A_637 = arith.constant 0 : index
    %get3A_638 = arith.constant 0 : index
    %get3A_639 = vector.load %arg5[%get3A_635, %get3A_636, %get3A_637, %get3A_638] : memref<2x32x224x224xf32, #tpu.memory_space<vmem>>, vector<1x1x224x224xf32>
    %get3A_640 = vector.shape_cast %get3A_639 : vector<1x1x224x224xf32> to vector<224x224xf32>
    %sub3A_641 = arith.subf %get3A_640, %dot_general3A_630 : vector<224x224xf32>
    %mul3A_642 = arith.mulf %sub3A_641, %dot_general3A_634 : vector<224x224xf32>
    %slice3A_643 = vector.extract_strided_slice %get3A_29 {offsets = [15, 0, 0], sizes = [1, 1, 1], strides = [1, 1, 1]} : vector<32x1x1xf32> to vector<1x1x1xf32>
    %squeeze3A_644 = vector.shape_cast %slice3A_643 : vector<1x1x1xf32> to vector<1x1xf32>
    %add3A_645 = vector.broadcast %squeeze3A_644 : vector<1x1xf32> to vector<224x224xf32>
    %add3A_646 = arith.addf %mul3A_642, %add3A_645 : vector<224x224xf32>
    %swap3A_647 = arith.constant 0 : index
    %swap3A_648 = arith.constant 15 : index
    %swap3A_649 = arith.constant 0 : index
    %swap3A_650 = arith.constant 0 : index
    %swap3A_651 = vector.load %arg12[%swap3A_647, %swap3A_648, %swap3A_649, %swap3A_650] : memref<2x32x224x224xf32, #tpu.memory_space<vmem>>, vector<1x1x224x224xf32>
    %swap3A_652 = vector.shape_cast %swap3A_651 : vector<1x1x224x224xf32> to vector<224x224xf32>
    %swap3A_653 = vector.shape_cast %add3A_646 : vector<224x224xf32> to vector<1x1x224x224xf32>
    tpu.vector_store %arg12[%swap3A_647, %swap3A_648, %swap3A_649, %swap3A_650], %swap3A_653 {strides = array<i32>} : memref<2x32x224x224xf32, #tpu.memory_space<vmem>>, vector<1x1x224x224xf32>,
    %slice3A_654 = vector.extract_strided_slice %concatenate3A {offsets = [16, 0, 0], sizes = [1, 4, 224], strides = [1, 1, 1]} : vector<32x4x224xf32> to vector<1x4x224xf32>
    %squeeze3A_655 = vector.shape_cast %slice3A_654 : vector<1x4x224xf32> to vector<4x224xf32>
    %dot_general3A_656 = arith.constant dense<0.000000e+00> : vector<224x224xf32>
    %dot_general3A_657 = tpu.matmul %get3A_182, %squeeze3A_655, %dot_general3A_656 {dimension_numbers = #tpu.dot_dimension_numbers<[1], [0], [0], [1], [0, 0, 1, 1], [], []>, transpose_lhs_hint = false} : vector<224x4xf32>, vector<4x224xf32>, vector<224x224xf32> -> vector<224x224xf32>
    %slice3A_658 = vector.extract_strided_slice %concatenate3A_221 {offsets = [16, 0, 0], sizes = [1, 4, 224], strides = [1, 1, 1]} : vector<32x4x224xf32> to vector<1x4x224xf32>
    %squeeze3A_659 = vector.shape_cast %slice3A_658 : vector<1x4x224xf32> to vector<4x224xf32>
    %dot_general3A_660 = arith.constant dense<0.000000e+00> : vector<224x224xf32>
    %dot_general3A_661 = tpu.matmul %get3A_182, %squeeze3A_659, %dot_general3A_660 {dimension_numbers = #tpu.dot_dimension_numbers<[1], [0], [0], [1], [0, 0, 1, 1], [], []>, transpose_lhs_hint = false} : vector<224x4xf32>, vector<4x224xf32>, vector<224x224xf32> -> vector<224x224xf32>
    %get3A_662 = arith.constant 0 : index
    %get3A_663 = arith.constant 16 : index
    %get3A_664 = arith.constant 0 : index
    %get3A_665 = arith.constant 0 : index
    %get3A_666 = vector.load %arg5[%get3A_662, %get3A_663, %get3A_664, %get3A_665] : memref<2x32x224x224xf32, #tpu.memory_space<vmem>>, vector<1x1x224x224xf32>
    %get3A_667 = vector.shape_cast %get3A_666 : vector<1x1x224x224xf32> to vector<224x224xf32>
    %sub3A_668 = arith.subf %get3A_667, %dot_general3A_657 : vector<224x224xf32>
    %mul3A_669 = arith.mulf %sub3A_668, %dot_general3A_661 : vector<224x224xf32>
    %slice3A_670 = vector.extract_strided_slice %get3A_29 {offsets = [16, 0, 0], sizes = [1, 1, 1], strides = [1, 1, 1]} : vector<32x1x1xf32> to vector<1x1x1xf32>
    %squeeze3A_671 = vector.shape_cast %slice3A_670 : vector<1x1x1xf32> to vector<1x1xf32>
    %add3A_672 = vector.broadcast %squeeze3A_671 : vector<1x1xf32> to vector<224x224xf32>
    %add3A_673 = arith.addf %mul3A_669, %add3A_672 : vector<224x224xf32>
    %swap3A_674 = arith.constant 0 : index
    %swap3A_675 = arith.constant 16 : index
    %swap3A_676 = arith.constant 0 : index
    %swap3A_677 = arith.constant 0 : index
    %swap3A_678 = vector.load %arg12[%swap3A_674, %swap3A_675, %swap3A_676, %swap3A_677] : memref<2x32x224x224xf32, #tpu.memory_space<vmem>>, vector<1x1x224x224xf32>
    %swap3A_679 = vector.shape_cast %swap3A_678 : vector<1x1x224x224xf32> to vector<224x224xf32>
    %swap3A_680 = vector.shape_cast %add3A_673 : vector<224x224xf32> to vector<1x1x224x224xf32>
    tpu.vector_store %arg12[%swap3A_674, %swap3A_675, %swap3A_676, %swap3A_677], %swap3A_680 {strides = array<i32>} : memref<2x32x224x224xf32, #tpu.memory_space<vmem>>, vector<1x1x224x224xf32>,
    %slice3A_681 = vector.extract_strided_slice %concatenate3A {offsets = [17, 0, 0], sizes = [1, 4, 224], strides = [1, 1, 1]} : vector<32x4x224xf32> to vector<1x4x224xf32>
    %squeeze3A_682 = vector.shape_cast %slice3A_681 : vector<1x4x224xf32> to vector<4x224xf32>
    %dot_general3A_683 = arith.constant dense<0.000000e+00> : vector<224x224xf32>
    %dot_general3A_684 = tpu.matmul %get3A_182, %squeeze3A_682, %dot_general3A_683 {dimension_numbers = #tpu.dot_dimension_numbers<[1], [0], [0], [1], [0, 0, 1, 1], [], []>, transpose_lhs_hint = false} : vector<224x4xf32>, vector<4x224xf32>, vector<224x224xf32> -> vector<224x224xf32>
    %slice3A_685 = vector.extract_strided_slice %concatenate3A_221 {offsets = [17, 0, 0], sizes = [1, 4, 224], strides = [1, 1, 1]} : vector<32x4x224xf32> to vector<1x4x224xf32>
    %squeeze3A_686 = vector.shape_cast %slice3A_685 : vector<1x4x224xf32> to vector<4x224xf32>
    %dot_general3A_687 = arith.constant dense<0.000000e+00> : vector<224x224xf32>
    %dot_general3A_688 = tpu.matmul %get3A_182, %squeeze3A_686, %dot_general3A_687 {dimension_numbers = #tpu.dot_dimension_numbers<[1], [0], [0], [1], [0, 0, 1, 1], [], []>, transpose_lhs_hint = false} : vector<224x4xf32>, vector<4x224xf32>, vector<224x224xf32> -> vector<224x224xf32>
    %get3A_689 = arith.constant 0 : index
    %get3A_690 = arith.constant 17 : index
    %get3A_691 = arith.constant 0 : index
    %get3A_692 = arith.constant 0 : index
    %get3A_693 = vector.load %arg5[%get3A_689, %get3A_690, %get3A_691, %get3A_692] : memref<2x32x224x224xf32, #tpu.memory_space<vmem>>, vector<1x1x224x224xf32>
    %get3A_694 = vector.shape_cast %get3A_693 : vector<1x1x224x224xf32> to vector<224x224xf32>
    %sub3A_695 = arith.subf %get3A_694, %dot_general3A_684 : vector<224x224xf32>
    %mul3A_696 = arith.mulf %sub3A_695, %dot_general3A_688 : vector<224x224xf32>
    %slice3A_697 = vector.extract_strided_slice %get3A_29 {offsets = [17, 0, 0], sizes = [1, 1, 1], strides = [1, 1, 1]} : vector<32x1x1xf32> to vector<1x1x1xf32>
    %squeeze3A_698 = vector.shape_cast %slice3A_697 : vector<1x1x1xf32> to vector<1x1xf32>
    %add3A_699 = vector.broadcast %squeeze3A_698 : vector<1x1xf32> to vector<224x224xf32>
    %add3A_700 = arith.addf %mul3A_696, %add3A_699 : vector<224x224xf32>
    %swap3A_701 = arith.constant 0 : index
    %swap3A_702 = arith.constant 17 : index
    %swap3A_703 = arith.constant 0 : index
    %swap3A_704 = arith.constant 0 : index
    %swap3A_705 = vector.load %arg12[%swap3A_701, %swap3A_702, %swap3A_703, %swap3A_704] : memref<2x32x224x224xf32, #tpu.memory_space<vmem>>, vector<1x1x224x224xf32>
    %swap3A_706 = vector.shape_cast %swap3A_705 : vector<1x1x224x224xf32> to vector<224x224xf32>
    %swap3A_707 = vector.shape_cast %add3A_700 : vector<224x224xf32> to vector<1x1x224x224xf32>
    tpu.vector_store %arg12[%swap3A_701, %swap3A_702, %swap3A_703, %swap3A_704], %swap3A_707 {strides = array<i32>} : memref<2x32x224x224xf32, #tpu.memory_space<vmem>>, vector<1x1x224x224xf32>,
    %slice3A_708 = vector.extract_strided_slice %concatenate3A {offsets = [18, 0, 0], sizes = [1, 4, 224], strides = [1, 1, 1]} : vector<32x4x224xf32> to vector<1x4x224xf32>
    %squeeze3A_709 = vector.shape_cast %slice3A_708 : vector<1x4x224xf32> to vector<4x224xf32>
    %dot_general3A_710 = arith.constant dense<0.000000e+00> : vector<224x224xf32>
    %dot_general3A_711 = tpu.matmul %get3A_182, %squeeze3A_709, %dot_general3A_710 {dimension_numbers = #tpu.dot_dimension_numbers<[1], [0], [0], [1], [0, 0, 1, 1], [], []>, transpose_lhs_hint = false} : vector<224x4xf32>, vector<4x224xf32>, vector<224x224xf32> -> vector<224x224xf32>
    %slice3A_712 = vector.extract_strided_slice %concatenate3A_221 {offsets = [18, 0, 0], sizes = [1, 4, 224], strides = [1, 1, 1]} : vector<32x4x224xf32> to vector<1x4x224xf32>
    %squeeze3A_713 = vector.shape_cast %slice3A_712 : vector<1x4x224xf32> to vector<4x224xf32>
    %dot_general3A_714 = arith.constant dense<0.000000e+00> : vector<224x224xf32>
    %dot_general3A_715 = tpu.matmul %get3A_182, %squeeze3A_713, %dot_general3A_714 {dimension_numbers = #tpu.dot_dimension_numbers<[1], [0], [0], [1], [0, 0, 1, 1], [], []>, transpose_lhs_hint = false} : vector<224x4xf32>, vector<4x224xf32>, vector<224x224xf32> -> vector<224x224xf32>
    %get3A_716 = arith.constant 0 : index
    %get3A_717 = arith.constant 18 : index
    %get3A_718 = arith.constant 0 : index
    %get3A_719 = arith.constant 0 : index
    %get3A_720 = vector.load %arg5[%get3A_716, %get3A_717, %get3A_718, %get3A_719] : memref<2x32x224x224xf32, #tpu.memory_space<vmem>>, vector<1x1x224x224xf32>
    %get3A_721 = vector.shape_cast %get3A_720 : vector<1x1x224x224xf32> to vector<224x224xf32>
    %sub3A_722 = arith.subf %get3A_721, %dot_general3A_711 : vector<224x224xf32>
    %mul3A_723 = arith.mulf %sub3A_722, %dot_general3A_715 : vector<224x224xf32>
    %slice3A_724 = vector.extract_strided_slice %get3A_29 {offsets = [18, 0, 0], sizes = [1, 1, 1], strides = [1, 1, 1]} : vector<32x1x1xf32> to vector<1x1x1xf32>
    %squeeze3A_725 = vector.shape_cast %slice3A_724 : vector<1x1x1xf32> to vector<1x1xf32>
    %add3A_726 = vector.broadcast %squeeze3A_725 : vector<1x1xf32> to vector<224x224xf32>
    %add3A_727 = arith.addf %mul3A_723, %add3A_726 : vector<224x224xf32>
    %swap3A_728 = arith.constant 0 : index
    %swap3A_729 = arith.constant 18 : index
    %swap3A_730 = arith.constant 0 : index
    %swap3A_731 = arith.constant 0 : index
    %swap3A_732 = vector.load %arg12[%swap3A_728, %swap3A_729, %swap3A_730, %swap3A_731] : memref<2x32x224x224xf32, #tpu.memory_space<vmem>>, vector<1x1x224x224xf32>
    %swap3A_733 = vector.shape_cast %swap3A_732 : vector<1x1x224x224xf32> to vector<224x224xf32>
    %swap3A_734 = vector.shape_cast %add3A_727 : vector<224x224xf32> to vector<1x1x224x224xf32>
    tpu.vector_store %arg12[%swap3A_728, %swap3A_729, %swap3A_730, %swap3A_731], %swap3A_734 {strides = array<i32>} : memref<2x32x224x224xf32, #tpu.memory_space<vmem>>, vector<1x1x224x224xf32>,
    %slice3A_735 = vector.extract_strided_slice %concatenate3A {offsets = [19, 0, 0], sizes = [1, 4, 224], strides = [1, 1, 1]} : vector<32x4x224xf32> to vector<1x4x224xf32>
    %squeeze3A_736 = vector.shape_cast %slice3A_735 : vector<1x4x224xf32> to vector<4x224xf32>
    %dot_general3A_737 = arith.constant dense<0.000000e+00> : vector<224x224xf32>
    %dot_general3A_738 = tpu.matmul %get3A_182, %squeeze3A_736, %dot_general3A_737 {dimension_numbers = #tpu.dot_dimension_numbers<[1], [0], [0], [1], [0, 0, 1, 1], [], []>, transpose_lhs_hint = false} : vector<224x4xf32>, vector<4x224xf32>, vector<224x224xf32> -> vector<224x224xf32>
    %slice3A_739 = vector.extract_strided_slice %concatenate3A_221 {offsets = [19, 0, 0], sizes = [1, 4, 224], strides = [1, 1, 1]} : vector<32x4x224xf32> to vector<1x4x224xf32>
    %squeeze3A_740 = vector.shape_cast %slice3A_739 : vector<1x4x224xf32> to vector<4x224xf32>
    %dot_general3A_741 = arith.constant dense<0.000000e+00> : vector<224x224xf32>
    %dot_general3A_742 = tpu.matmul %get3A_182, %squeeze3A_740, %dot_general3A_741 {dimension_numbers = #tpu.dot_dimension_numbers<[1], [0], [0], [1], [0, 0, 1, 1], [], []>, transpose_lhs_hint = false} : vector<224x4xf32>, vector<4x224xf32>, vector<224x224xf32> -> vector<224x224xf32>
    %get3A_743 = arith.constant 0 : index
    %get3A_744 = arith.constant 19 : index
    %get3A_745 = arith.constant 0 : index
    %get3A_746 = arith.constant 0 : index
    %get3A_747 = vector.load %arg5[%get3A_743, %get3A_744, %get3A_745, %get3A_746] : memref<2x32x224x224xf32, #tpu.memory_space<vmem>>, vector<1x1x224x224xf32>
    %get3A_748 = vector.shape_cast %get3A_747 : vector<1x1x224x224xf32> to vector<224x224xf32>
    %sub3A_749 = arith.subf %get3A_748, %dot_general3A_738 : vector<224x224xf32>
    %mul3A_750 = arith.mulf %sub3A_749, %dot_general3A_742 : vector<224x224xf32>
    %slice3A_751 = vector.extract_strided_slice %get3A_29 {offsets = [19, 0, 0], sizes = [1, 1, 1], strides = [1, 1, 1]} : vector<32x1x1xf32> to vector<1x1x1xf32>
    %squeeze3A_752 = vector.shape_cast %slice3A_751 : vector<1x1x1xf32> to vector<1x1xf32>
    %add3A_753 = vector.broadcast %squeeze3A_752 : vector<1x1xf32> to vector<224x224xf32>
    %add3A_754 = arith.addf %mul3A_750, %add3A_753 : vector<224x224xf32>
    %swap3A_755 = arith.constant 0 : index
    %swap3A_756 = arith.constant 19 : index
    %swap3A_757 = arith.constant 0 : index
    %swap3A_758 = arith.constant 0 : index
    %swap3A_759 = vector.load %arg12[%swap3A_755, %swap3A_756, %swap3A_757, %swap3A_758] : memref<2x32x224x224xf32, #tpu.memory_space<vmem>>, vector<1x1x224x224xf32>
    %swap3A_760 = vector.shape_cast %swap3A_759 : vector<1x1x224x224xf32> to vector<224x224xf32>
    %swap3A_761 = vector.shape_cast %add3A_754 : vector<224x224xf32> to vector<1x1x224x224xf32>
    tpu.vector_store %arg12[%swap3A_755, %swap3A_756, %swap3A_757, %swap3A_758], %swap3A_761 {strides = array<i32>} : memref<2x32x224x224xf32, #tpu.memory_space<vmem>>, vector<1x1x224x224xf32>,
    %slice3A_762 = vector.extract_strided_slice %concatenate3A {offsets = [20, 0, 0], sizes = [1, 4, 224], strides = [1, 1, 1]} : vector<32x4x224xf32> to vector<1x4x224xf32>
    %squeeze3A_763 = vector.shape_cast %slice3A_762 : vector<1x4x224xf32> to vector<4x224xf32>
    %dot_general3A_764 = arith.constant dense<0.000000e+00> : vector<224x224xf32>
    %dot_general3A_765 = tpu.matmul %get3A_182, %squeeze3A_763, %dot_general3A_764 {dimension_numbers = #tpu.dot_dimension_numbers<[1], [0], [0], [1], [0, 0, 1, 1], [], []>, transpose_lhs_hint = false} : vector<224x4xf32>, vector<4x224xf32>, vector<224x224xf32> -> vector<224x224xf32>
    %slice3A_766 = vector.extract_strided_slice %concatenate3A_221 {offsets = [20, 0, 0], sizes = [1, 4, 224], strides = [1, 1, 1]} : vector<32x4x224xf32> to vector<1x4x224xf32>
    %squeeze3A_767 = vector.shape_cast %slice3A_766 : vector<1x4x224xf32> to vector<4x224xf32>
    %dot_general3A_768 = arith.constant dense<0.000000e+00> : vector<224x224xf32>
    %dot_general3A_769 = tpu.matmul %get3A_182, %squeeze3A_767, %dot_general3A_768 {dimension_numbers = #tpu.dot_dimension_numbers<[1], [0], [0], [1], [0, 0, 1, 1], [], []>, transpose_lhs_hint = false} : vector<224x4xf32>, vector<4x224xf32>, vector<224x224xf32> -> vector<224x224xf32>
    %get3A_770 = arith.constant 0 : index
    %get3A_771 = arith.constant 20 : index
    %get3A_772 = arith.constant 0 : index
    %get3A_773 = arith.constant 0 : index
    %get3A_774 = vector.load %arg5[%get3A_770, %get3A_771, %get3A_772, %get3A_773] : memref<2x32x224x224xf32, #tpu.memory_space<vmem>>, vector<1x1x224x224xf32>
    %get3A_775 = vector.shape_cast %get3A_774 : vector<1x1x224x224xf32> to vector<224x224xf32>
    %sub3A_776 = arith.subf %get3A_775, %dot_general3A_765 : vector<224x224xf32>
    %mul3A_777 = arith.mulf %sub3A_776, %dot_general3A_769 : vector<224x224xf32>
    %slice3A_778 = vector.extract_strided_slice %get3A_29 {offsets = [20, 0, 0], sizes = [1, 1, 1], strides = [1, 1, 1]} : vector<32x1x1xf32> to vector<1x1x1xf32>
    %squeeze3A_779 = vector.shape_cast %slice3A_778 : vector<1x1x1xf32> to vector<1x1xf32>
    %add3A_780 = vector.broadcast %squeeze3A_779 : vector<1x1xf32> to vector<224x224xf32>
    %add3A_781 = arith.addf %mul3A_777, %add3A_780 : vector<224x224xf32>
    %swap3A_782 = arith.constant 0 : index
    %swap3A_783 = arith.constant 20 : index
    %swap3A_784 = arith.constant 0 : index
    %swap3A_785 = arith.constant 0 : index
    %swap3A_786 = vector.load %arg12[%swap3A_782, %swap3A_783, %swap3A_784, %swap3A_785] : memref<2x32x224x224xf32, #tpu.memory_space<vmem>>, vector<1x1x224x224xf32>
    %swap3A_787 = vector.shape_cast %swap3A_786 : vector<1x1x224x224xf32> to vector<224x224xf32>
    %swap3A_788 = vector.shape_cast %add3A_781 : vector<224x224xf32> to vector<1x1x224x224xf32>
    tpu.vector_store %arg12[%swap3A_782, %swap3A_783, %swap3A_784, %swap3A_785], %swap3A_788 {strides = array<i32>} : memref<2x32x224x224xf32, #tpu.memory_space<vmem>>, vector<1x1x224x224xf32>,
    %slice3A_789 = vector.extract_strided_slice %concatenate3A {offsets = [21, 0, 0], sizes = [1, 4, 224], strides = [1, 1, 1]} : vector<32x4x224xf32> to vector<1x4x224xf32>
    %squeeze3A_790 = vector.shape_cast %slice3A_789 : vector<1x4x224xf32> to vector<4x224xf32>
    %dot_general3A_791 = arith.constant dense<0.000000e+00> : vector<224x224xf32>
    %dot_general3A_792 = tpu.matmul %get3A_182, %squeeze3A_790, %dot_general3A_791 {dimension_numbers = #tpu.dot_dimension_numbers<[1], [0], [0], [1], [0, 0, 1, 1], [], []>, transpose_lhs_hint = false} : vector<224x4xf32>, vector<4x224xf32>, vector<224x224xf32> -> vector<224x224xf32>
    %slice3A_793 = vector.extract_strided_slice %concatenate3A_221 {offsets = [21, 0, 0], sizes = [1, 4, 224], strides = [1, 1, 1]} : vector<32x4x224xf32> to vector<1x4x224xf32>
    %squeeze3A_794 = vector.shape_cast %slice3A_793 : vector<1x4x224xf32> to vector<4x224xf32>
    %dot_general3A_795 = arith.constant dense<0.000000e+00> : vector<224x224xf32>
    %dot_general3A_796 = tpu.matmul %get3A_182, %squeeze3A_794, %dot_general3A_795 {dimension_numbers = #tpu.dot_dimension_numbers<[1], [0], [0], [1], [0, 0, 1, 1], [], []>, transpose_lhs_hint = false} : vector<224x4xf32>, vector<4x224xf32>, vector<224x224xf32> -> vector<224x224xf32>
    %get3A_797 = arith.constant 0 : index
    %get3A_798 = arith.constant 21 : index
    %get3A_799 = arith.constant 0 : index
    %get3A_800 = arith.constant 0 : index
    %get3A_801 = vector.load %arg5[%get3A_797, %get3A_798, %get3A_799, %get3A_800] : memref<2x32x224x224xf32, #tpu.memory_space<vmem>>, vector<1x1x224x224xf32>
    %get3A_802 = vector.shape_cast %get3A_801 : vector<1x1x224x224xf32> to vector<224x224xf32>
    %sub3A_803 = arith.subf %get3A_802, %dot_general3A_792 : vector<224x224xf32>
    %mul3A_804 = arith.mulf %sub3A_803, %dot_general3A_796 : vector<224x224xf32>
    %slice3A_805 = vector.extract_strided_slice %get3A_29 {offsets = [21, 0, 0], sizes = [1, 1, 1], strides = [1, 1, 1]} : vector<32x1x1xf32> to vector<1x1x1xf32>
    %squeeze3A_806 = vector.shape_cast %slice3A_805 : vector<1x1x1xf32> to vector<1x1xf32>
    %add3A_807 = vector.broadcast %squeeze3A_806 : vector<1x1xf32> to vector<224x224xf32>
    %add3A_808 = arith.addf %mul3A_804, %add3A_807 : vector<224x224xf32>
    %swap3A_809 = arith.constant 0 : index
    %swap3A_810 = arith.constant 21 : index
    %swap3A_811 = arith.constant 0 : index
    %swap3A_812 = arith.constant 0 : index
    %swap3A_813 = vector.load %arg12[%swap3A_809, %swap3A_810, %swap3A_811, %swap3A_812] : memref<2x32x224x224xf32, #tpu.memory_space<vmem>>, vector<1x1x224x224xf32>
    %swap3A_814 = vector.shape_cast %swap3A_813 : vector<1x1x224x224xf32> to vector<224x224xf32>
    %swap3A_815 = vector.shape_cast %add3A_808 : vector<224x224xf32> to vector<1x1x224x224xf32>
    tpu.vector_store %arg12[%swap3A_809, %swap3A_810, %swap3A_811, %swap3A_812], %swap3A_815 {strides = array<i32>} : memref<2x32x224x224xf32, #tpu.memory_space<vmem>>, vector<1x1x224x224xf32>,
    %slice3A_816 = vector.extract_strided_slice %concatenate3A {offsets = [22, 0, 0], sizes = [1, 4, 224], strides = [1, 1, 1]} : vector<32x4x224xf32> to vector<1x4x224xf32>
    %squeeze3A_817 = vector.shape_cast %slice3A_816 : vector<1x4x224xf32> to vector<4x224xf32>
    %dot_general3A_818 = arith.constant dense<0.000000e+00> : vector<224x224xf32>
    %dot_general3A_819 = tpu.matmul %get3A_182, %squeeze3A_817, %dot_general3A_818 {dimension_numbers = #tpu.dot_dimension_numbers<[1], [0], [0], [1], [0, 0, 1, 1], [], []>, transpose_lhs_hint = false} : vector<224x4xf32>, vector<4x224xf32>, vector<224x224xf32> -> vector<224x224xf32>
    %slice3A_820 = vector.extract_strided_slice %concatenate3A_221 {offsets = [22, 0, 0], sizes = [1, 4, 224], strides = [1, 1, 1]} : vector<32x4x224xf32> to vector<1x4x224xf32>
    %squeeze3A_821 = vector.shape_cast %slice3A_820 : vector<1x4x224xf32> to vector<4x224xf32>
    %dot_general3A_822 = arith.constant dense<0.000000e+00> : vector<224x224xf32>
    %dot_general3A_823 = tpu.matmul %get3A_182, %squeeze3A_821, %dot_general3A_822 {dimension_numbers = #tpu.dot_dimension_numbers<[1], [0], [0], [1], [0, 0, 1, 1], [], []>, transpose_lhs_hint = false} : vector<224x4xf32>, vector<4x224xf32>, vector<224x224xf32> -> vector<224x224xf32>
    %get3A_824 = arith.constant 0 : index
    %get3A_825 = arith.constant 22 : index
    %get3A_826 = arith.constant 0 : index
    %get3A_827 = arith.constant 0 : index
    %get3A_828 = vector.load %arg5[%get3A_824, %get3A_825, %get3A_826, %get3A_827] : memref<2x32x224x224xf32, #tpu.memory_space<vmem>>, vector<1x1x224x224xf32>
    %get3A_829 = vector.shape_cast %get3A_828 : vector<1x1x224x224xf32> to vector<224x224xf32>
    %sub3A_830 = arith.subf %get3A_829, %dot_general3A_819 : vector<224x224xf32>
    %mul3A_831 = arith.mulf %sub3A_830, %dot_general3A_823 : vector<224x224xf32>
    %slice3A_832 = vector.extract_strided_slice %get3A_29 {offsets = [22, 0, 0], sizes = [1, 1, 1], strides = [1, 1, 1]} : vector<32x1x1xf32> to vector<1x1x1xf32>
    %squeeze3A_833 = vector.shape_cast %slice3A_832 : vector<1x1x1xf32> to vector<1x1xf32>
    %add3A_834 = vector.broadcast %squeeze3A_833 : vector<1x1xf32> to vector<224x224xf32>
    %add3A_835 = arith.addf %mul3A_831, %add3A_834 : vector<224x224xf32>
    %swap3A_836 = arith.constant 0 : index
    %swap3A_837 = arith.constant 22 : index
    %swap3A_838 = arith.constant 0 : index
    %swap3A_839 = arith.constant 0 : index
    %swap3A_840 = vector.load %arg12[%swap3A_836, %swap3A_837, %swap3A_838, %swap3A_839] : memref<2x32x224x224xf32, #tpu.memory_space<vmem>>, vector<1x1x224x224xf32>
    %swap3A_841 = vector.shape_cast %swap3A_840 : vector<1x1x224x224xf32> to vector<224x224xf32>
    %swap3A_842 = vector.shape_cast %add3A_835 : vector<224x224xf32> to vector<1x1x224x224xf32>
    tpu.vector_store %arg12[%swap3A_836, %swap3A_837, %swap3A_838, %swap3A_839], %swap3A_842 {strides = array<i32>} : memref<2x32x224x224xf32, #tpu.memory_space<vmem>>, vector<1x1x224x224xf32>,
    %slice3A_843 = vector.extract_strided_slice %concatenate3A {offsets = [23, 0, 0], sizes = [1, 4, 224], strides = [1, 1, 1]} : vector<32x4x224xf32> to vector<1x4x224xf32>
    %squeeze3A_844 = vector.shape_cast %slice3A_843 : vector<1x4x224xf32> to vector<4x224xf32>
    %dot_general3A_845 = arith.constant dense<0.000000e+00> : vector<224x224xf32>
    %dot_general3A_846 = tpu.matmul %get3A_182, %squeeze3A_844, %dot_general3A_845 {dimension_numbers = #tpu.dot_dimension_numbers<[1], [0], [0], [1], [0, 0, 1, 1], [], []>, transpose_lhs_hint = false} : vector<224x4xf32>, vector<4x224xf32>, vector<224x224xf32> -> vector<224x224xf32>
    %slice3A_847 = vector.extract_strided_slice %concatenate3A_221 {offsets = [23, 0, 0], sizes = [1, 4, 224], strides = [1, 1, 1]} : vector<32x4x224xf32> to vector<1x4x224xf32>
    %squeeze3A_848 = vector.shape_cast %slice3A_847 : vector<1x4x224xf32> to vector<4x224xf32>
    %dot_general3A_849 = arith.constant dense<0.000000e+00> : vector<224x224xf32>
    %dot_general3A_850 = tpu.matmul %get3A_182, %squeeze3A_848, %dot_general3A_849 {dimension_numbers = #tpu.dot_dimension_numbers<[1], [0], [0], [1], [0, 0, 1, 1], [], []>, transpose_lhs_hint = false} : vector<224x4xf32>, vector<4x224xf32>, vector<224x224xf32> -> vector<224x224xf32>
    %get3A_851 = arith.constant 0 : index
    %get3A_852 = arith.constant 23 : index
    %get3A_853 = arith.constant 0 : index
    %get3A_854 = arith.constant 0 : index
    %get3A_855 = vector.load %arg5[%get3A_851, %get3A_852, %get3A_853, %get3A_854] : memref<2x32x224x224xf32, #tpu.memory_space<vmem>>, vector<1x1x224x224xf32>
    %get3A_856 = vector.shape_cast %get3A_855 : vector<1x1x224x224xf32> to vector<224x224xf32>
    %sub3A_857 = arith.subf %get3A_856, %dot_general3A_846 : vector<224x224xf32>
    %mul3A_858 = arith.mulf %sub3A_857, %dot_general3A_850 : vector<224x224xf32>
    %slice3A_859 = vector.extract_strided_slice %get3A_29 {offsets = [23, 0, 0], sizes = [1, 1, 1], strides = [1, 1, 1]} : vector<32x1x1xf32> to vector<1x1x1xf32>
    %squeeze3A_860 = vector.shape_cast %slice3A_859 : vector<1x1x1xf32> to vector<1x1xf32>
    %add3A_861 = vector.broadcast %squeeze3A_860 : vector<1x1xf32> to vector<224x224xf32>
    %add3A_862 = arith.addf %mul3A_858, %add3A_861 : vector<224x224xf32>
    %swap3A_863 = arith.constant 0 : index
    %swap3A_864 = arith.constant 23 : index
    %swap3A_865 = arith.constant 0 : index
    %swap3A_866 = arith.constant 0 : index
    %swap3A_867 = vector.load %arg12[%swap3A_863, %swap3A_864, %swap3A_865, %swap3A_866] : memref<2x32x224x224xf32, #tpu.memory_space<vmem>>, vector<1x1x224x224xf32>
    %swap3A_868 = vector.shape_cast %swap3A_867 : vector<1x1x224x224xf32> to vector<224x224xf32>
    %swap3A_869 = vector.shape_cast %add3A_862 : vector<224x224xf32> to vector<1x1x224x224xf32>
    tpu.vector_store %arg12[%swap3A_863, %swap3A_864, %swap3A_865, %swap3A_866], %swap3A_869 {strides = array<i32>} : memref<2x32x224x224xf32, #tpu.memory_space<vmem>>, vector<1x1x224x224xf32>,
    %slice3A_870 = vector.extract_strided_slice %concatenate3A {offsets = [24, 0, 0], sizes = [1, 4, 224], strides = [1, 1, 1]} : vector<32x4x224xf32> to vector<1x4x224xf32>
    %squeeze3A_871 = vector.shape_cast %slice3A_870 : vector<1x4x224xf32> to vector<4x224xf32>
    %dot_general3A_872 = arith.constant dense<0.000000e+00> : vector<224x224xf32>
    %dot_general3A_873 = tpu.matmul %get3A_182, %squeeze3A_871, %dot_general3A_872 {dimension_numbers = #tpu.dot_dimension_numbers<[1], [0], [0], [1], [0, 0, 1, 1], [], []>, transpose_lhs_hint = false} : vector<224x4xf32>, vector<4x224xf32>, vector<224x224xf32> -> vector<224x224xf32>
    %slice3A_874 = vector.extract_strided_slice %concatenate3A_221 {offsets = [24, 0, 0], sizes = [1, 4, 224], strides = [1, 1, 1]} : vector<32x4x224xf32> to vector<1x4x224xf32>
    %squeeze3A_875 = vector.shape_cast %slice3A_874 : vector<1x4x224xf32> to vector<4x224xf32>
    %dot_general3A_876 = arith.constant dense<0.000000e+00> : vector<224x224xf32>
    %dot_general3A_877 = tpu.matmul %get3A_182, %squeeze3A_875, %dot_general3A_876 {dimension_numbers = #tpu.dot_dimension_numbers<[1], [0], [0], [1], [0, 0, 1, 1], [], []>, transpose_lhs_hint = false} : vector<224x4xf32>, vector<4x224xf32>, vector<224x224xf32> -> vector<224x224xf32>
    %get3A_878 = arith.constant 0 : index
    %get3A_879 = arith.constant 24 : index
    %get3A_880 = arith.constant 0 : index
    %get3A_881 = arith.constant 0 : index
    %get3A_882 = vector.load %arg5[%get3A_878, %get3A_879, %get3A_880, %get3A_881] : memref<2x32x224x224xf32, #tpu.memory_space<vmem>>, vector<1x1x224x224xf32>
    %get3A_883 = vector.shape_cast %get3A_882 : vector<1x1x224x224xf32> to vector<224x224xf32>
    %sub3A_884 = arith.subf %get3A_883, %dot_general3A_873 : vector<224x224xf32>
    %mul3A_885 = arith.mulf %sub3A_884, %dot_general3A_877 : vector<224x224xf32>
    %slice3A_886 = vector.extract_strided_slice %get3A_29 {offsets = [24, 0, 0], sizes = [1, 1, 1], strides = [1, 1, 1]} : vector<32x1x1xf32> to vector<1x1x1xf32>
    %squeeze3A_887 = vector.shape_cast %slice3A_886 : vector<1x1x1xf32> to vector<1x1xf32>
    %add3A_888 = vector.broadcast %squeeze3A_887 : vector<1x1xf32> to vector<224x224xf32>
    %add3A_889 = arith.addf %mul3A_885, %add3A_888 : vector<224x224xf32>
    %swap3A_890 = arith.constant 0 : index
    %swap3A_891 = arith.constant 24 : index
    %swap3A_892 = arith.constant 0 : index
    %swap3A_893 = arith.constant 0 : index
    %swap3A_894 = vector.load %arg12[%swap3A_890, %swap3A_891, %swap3A_892, %swap3A_893] : memref<2x32x224x224xf32, #tpu.memory_space<vmem>>, vector<1x1x224x224xf32>
    %swap3A_895 = vector.shape_cast %swap3A_894 : vector<1x1x224x224xf32> to vector<224x224xf32>
    %swap3A_896 = vector.shape_cast %add3A_889 : vector<224x224xf32> to vector<1x1x224x224xf32>
    tpu.vector_store %arg12[%swap3A_890, %swap3A_891, %swap3A_892, %swap3A_893], %swap3A_896 {strides = array<i32>} : memref<2x32x224x224xf32, #tpu.memory_space<vmem>>, vector<1x1x224x224xf32>,
    %slice3A_897 = vector.extract_strided_slice %concatenate3A {offsets = [25, 0, 0], sizes = [1, 4, 224], strides = [1, 1, 1]} : vector<32x4x224xf32> to vector<1x4x224xf32>
    %squeeze3A_898 = vector.shape_cast %slice3A_897 : vector<1x4x224xf32> to vector<4x224xf32>
    %dot_general3A_899 = arith.constant dense<0.000000e+00> : vector<224x224xf32>
    %dot_general3A_900 = tpu.matmul %get3A_182, %squeeze3A_898, %dot_general3A_899 {dimension_numbers = #tpu.dot_dimension_numbers<[1], [0], [0], [1], [0, 0, 1, 1], [], []>, transpose_lhs_hint = false} : vector<224x4xf32>, vector<4x224xf32>, vector<224x224xf32> -> vector<224x224xf32>
    %slice3A_901 = vector.extract_strided_slice %concatenate3A_221 {offsets = [25, 0, 0], sizes = [1, 4, 224], strides = [1, 1, 1]} : vector<32x4x224xf32> to vector<1x4x224xf32>
    %squeeze3A_902 = vector.shape_cast %slice3A_901 : vector<1x4x224xf32> to vector<4x224xf32>
    %dot_general3A_903 = arith.constant dense<0.000000e+00> : vector<224x224xf32>
    %dot_general3A_904 = tpu.matmul %get3A_182, %squeeze3A_902, %dot_general3A_903 {dimension_numbers = #tpu.dot_dimension_numbers<[1], [0], [0], [1], [0, 0, 1, 1], [], []>, transpose_lhs_hint = false} : vector<224x4xf32>, vector<4x224xf32>, vector<224x224xf32> -> vector<224x224xf32>
    %get3A_905 = arith.constant 0 : index
    %get3A_906 = arith.constant 25 : index
    %get3A_907 = arith.constant 0 : index
    %get3A_908 = arith.constant 0 : index
    %get3A_909 = vector.load %arg5[%get3A_905, %get3A_906, %get3A_907, %get3A_908] : memref<2x32x224x224xf32, #tpu.memory_space<vmem>>, vector<1x1x224x224xf32>
    %get3A_910 = vector.shape_cast %get3A_909 : vector<1x1x224x224xf32> to vector<224x224xf32>
    %sub3A_911 = arith.subf %get3A_910, %dot_general3A_900 : vector<224x224xf32>
    %mul3A_912 = arith.mulf %sub3A_911, %dot_general3A_904 : vector<224x224xf32>
    %slice3A_913 = vector.extract_strided_slice %get3A_29 {offsets = [25, 0, 0], sizes = [1, 1, 1], strides = [1, 1, 1]} : vector<32x1x1xf32> to vector<1x1x1xf32>
    %squeeze3A_914 = vector.shape_cast %slice3A_913 : vector<1x1x1xf32> to vector<1x1xf32>
    %add3A_915 = vector.broadcast %squeeze3A_914 : vector<1x1xf32> to vector<224x224xf32>
    %add3A_916 = arith.addf %mul3A_912, %add3A_915 : vector<224x224xf32>
    %swap3A_917 = arith.constant 0 : index
    %swap3A_918 = arith.constant 25 : index
    %swap3A_919 = arith.constant 0 : index
    %swap3A_920 = arith.constant 0 : index
    %swap3A_921 = vector.load %arg12[%swap3A_917, %swap3A_918, %swap3A_919, %swap3A_920] : memref<2x32x224x224xf32, #tpu.memory_space<vmem>>, vector<1x1x224x224xf32>
    %swap3A_922 = vector.shape_cast %swap3A_921 : vector<1x1x224x224xf32> to vector<224x224xf32>
    %swap3A_923 = vector.shape_cast %add3A_916 : vector<224x224xf32> to vector<1x1x224x224xf32>
    tpu.vector_store %arg12[%swap3A_917, %swap3A_918, %swap3A_919, %swap3A_920], %swap3A_923 {strides = array<i32>} : memref<2x32x224x224xf32, #tpu.memory_space<vmem>>, vector<1x1x224x224xf32>,
    %slice3A_924 = vector.extract_strided_slice %concatenate3A {offsets = [26, 0, 0], sizes = [1, 4, 224], strides = [1, 1, 1]} : vector<32x4x224xf32> to vector<1x4x224xf32>
    %squeeze3A_925 = vector.shape_cast %slice3A_924 : vector<1x4x224xf32> to vector<4x224xf32>
    %dot_general3A_926 = arith.constant dense<0.000000e+00> : vector<224x224xf32>
    %dot_general3A_927 = tpu.matmul %get3A_182, %squeeze3A_925, %dot_general3A_926 {dimension_numbers = #tpu.dot_dimension_numbers<[1], [0], [0], [1], [0, 0, 1, 1], [], []>, transpose_lhs_hint = false} : vector<224x4xf32>, vector<4x224xf32>, vector<224x224xf32> -> vector<224x224xf32>
    %slice3A_928 = vector.extract_strided_slice %concatenate3A_221 {offsets = [26, 0, 0], sizes = [1, 4, 224], strides = [1, 1, 1]} : vector<32x4x224xf32> to vector<1x4x224xf32>
    %squeeze3A_929 = vector.shape_cast %slice3A_928 : vector<1x4x224xf32> to vector<4x224xf32>
    %dot_general3A_930 = arith.constant dense<0.000000e+00> : vector<224x224xf32>
    %dot_general3A_931 = tpu.matmul %get3A_182, %squeeze3A_929, %dot_general3A_930 {dimension_numbers = #tpu.dot_dimension_numbers<[1], [0], [0], [1], [0, 0, 1, 1], [], []>, transpose_lhs_hint = false} : vector<224x4xf32>, vector<4x224xf32>, vector<224x224xf32> -> vector<224x224xf32>
    %get3A_932 = arith.constant 0 : index
    %get3A_933 = arith.constant 26 : index
    %get3A_934 = arith.constant 0 : index
    %get3A_935 = arith.constant 0 : index
    %get3A_936 = vector.load %arg5[%get3A_932, %get3A_933, %get3A_934, %get3A_935] : memref<2x32x224x224xf32, #tpu.memory_space<vmem>>, vector<1x1x224x224xf32>
    %get3A_937 = vector.shape_cast %get3A_936 : vector<1x1x224x224xf32> to vector<224x224xf32>
    %sub3A_938 = arith.subf %get3A_937, %dot_general3A_927 : vector<224x224xf32>
    %mul3A_939 = arith.mulf %sub3A_938, %dot_general3A_931 : vector<224x224xf32>
    %slice3A_940 = vector.extract_strided_slice %get3A_29 {offsets = [26, 0, 0], sizes = [1, 1, 1], strides = [1, 1, 1]} : vector<32x1x1xf32> to vector<1x1x1xf32>
    %squeeze3A_941 = vector.shape_cast %slice3A_940 : vector<1x1x1xf32> to vector<1x1xf32>
    %add3A_942 = vector.broadcast %squeeze3A_941 : vector<1x1xf32> to vector<224x224xf32>
    %add3A_943 = arith.addf %mul3A_939, %add3A_942 : vector<224x224xf32>
    %swap3A_944 = arith.constant 0 : index
    %swap3A_945 = arith.constant 26 : index
    %swap3A_946 = arith.constant 0 : index
    %swap3A_947 = arith.constant 0 : index
    %swap3A_948 = vector.load %arg12[%swap3A_944, %swap3A_945, %swap3A_946, %swap3A_947] : memref<2x32x224x224xf32, #tpu.memory_space<vmem>>, vector<1x1x224x224xf32>
    %swap3A_949 = vector.shape_cast %swap3A_948 : vector<1x1x224x224xf32> to vector<224x224xf32>
    %swap3A_950 = vector.shape_cast %add3A_943 : vector<224x224xf32> to vector<1x1x224x224xf32>
    tpu.vector_store %arg12[%swap3A_944, %swap3A_945, %swap3A_946, %swap3A_947], %swap3A_950 {strides = array<i32>} : memref<2x32x224x224xf32, #tpu.memory_space<vmem>>, vector<1x1x224x224xf32>,
    %slice3A_951 = vector.extract_strided_slice %concatenate3A {offsets = [27, 0, 0], sizes = [1, 4, 224], strides = [1, 1, 1]} : vector<32x4x224xf32> to vector<1x4x224xf32>
    %squeeze3A_952 = vector.shape_cast %slice3A_951 : vector<1x4x224xf32> to vector<4x224xf32>
    %dot_general3A_953 = arith.constant dense<0.000000e+00> : vector<224x224xf32>
    %dot_general3A_954 = tpu.matmul %get3A_182, %squeeze3A_952, %dot_general3A_953 {dimension_numbers = #tpu.dot_dimension_numbers<[1], [0], [0], [1], [0, 0, 1, 1], [], []>, transpose_lhs_hint = false} : vector<224x4xf32>, vector<4x224xf32>, vector<224x224xf32> -> vector<224x224xf32>
    %slice3A_955 = vector.extract_strided_slice %concatenate3A_221 {offsets = [27, 0, 0], sizes = [1, 4, 224], strides = [1, 1, 1]} : vector<32x4x224xf32> to vector<1x4x224xf32>
    %squeeze3A_956 = vector.shape_cast %slice3A_955 : vector<1x4x224xf32> to vector<4x224xf32>
    %dot_general3A_957 = arith.constant dense<0.000000e+00> : vector<224x224xf32>
    %dot_general3A_958 = tpu.matmul %get3A_182, %squeeze3A_956, %dot_general3A_957 {dimension_numbers = #tpu.dot_dimension_numbers<[1], [0], [0], [1], [0, 0, 1, 1], [], []>, transpose_lhs_hint = false} : vector<224x4xf32>, vector<4x224xf32>, vector<224x224xf32> -> vector<224x224xf32>
    %get3A_959 = arith.constant 0 : index
    %get3A_960 = arith.constant 27 : index
    %get3A_961 = arith.constant 0 : index
    %get3A_962 = arith.constant 0 : index
    %get3A_963 = vector.load %arg5[%get3A_959, %get3A_960, %get3A_961, %get3A_962] : memref<2x32x224x224xf32, #tpu.memory_space<vmem>>, vector<1x1x224x224xf32>
    %get3A_964 = vector.shape_cast %get3A_963 : vector<1x1x224x224xf32> to vector<224x224xf32>
    %sub3A_965 = arith.subf %get3A_964, %dot_general3A_954 : vector<224x224xf32>
    %mul3A_966 = arith.mulf %sub3A_965, %dot_general3A_958 : vector<224x224xf32>
    %slice3A_967 = vector.extract_strided_slice %get3A_29 {offsets = [27, 0, 0], sizes = [1, 1, 1], strides = [1, 1, 1]} : vector<32x1x1xf32> to vector<1x1x1xf32>
    %squeeze3A_968 = vector.shape_cast %slice3A_967 : vector<1x1x1xf32> to vector<1x1xf32>
    %add3A_969 = vector.broadcast %squeeze3A_968 : vector<1x1xf32> to vector<224x224xf32>
    %add3A_970 = arith.addf %mul3A_966, %add3A_969 : vector<224x224xf32>
    %swap3A_971 = arith.constant 0 : index
    %swap3A_972 = arith.constant 27 : index
    %swap3A_973 = arith.constant 0 : index
    %swap3A_974 = arith.constant 0 : index
    %swap3A_975 = vector.load %arg12[%swap3A_971, %swap3A_972, %swap3A_973, %swap3A_974] : memref<2x32x224x224xf32, #tpu.memory_space<vmem>>, vector<1x1x224x224xf32>
    %swap3A_976 = vector.shape_cast %swap3A_975 : vector<1x1x224x224xf32> to vector<224x224xf32>
    %swap3A_977 = vector.shape_cast %add3A_970 : vector<224x224xf32> to vector<1x1x224x224xf32>
    tpu.vector_store %arg12[%swap3A_971, %swap3A_972, %swap3A_973, %swap3A_974], %swap3A_977 {strides = array<i32>} : memref<2x32x224x224xf32, #tpu.memory_space<vmem>>, vector<1x1x224x224xf32>,
    %slice3A_978 = vector.extract_strided_slice %concatenate3A {offsets = [28, 0, 0], sizes = [1, 4, 224], strides = [1, 1, 1]} : vector<32x4x224xf32> to vector<1x4x224xf32>
    %squeeze3A_979 = vector.shape_cast %slice3A_978 : vector<1x4x224xf32> to vector<4x224xf32>
    %dot_general3A_980 = arith.constant dense<0.000000e+00> : vector<224x224xf32>
    %dot_general3A_981 = tpu.matmul %get3A_182, %squeeze3A_979, %dot_general3A_980 {dimension_numbers = #tpu.dot_dimension_numbers<[1], [0], [0], [1], [0, 0, 1, 1], [], []>, transpose_lhs_hint = false} : vector<224x4xf32>, vector<4x224xf32>, vector<224x224xf32> -> vector<224x224xf32>
    %slice3A_982 = vector.extract_strided_slice %concatenate3A_221 {offsets = [28, 0, 0], sizes = [1, 4, 224], strides = [1, 1, 1]} : vector<32x4x224xf32> to vector<1x4x224xf32>
    %squeeze3A_983 = vector.shape_cast %slice3A_982 : vector<1x4x224xf32> to vector<4x224xf32>
    %dot_general3A_984 = arith.constant dense<0.000000e+00> : vector<224x224xf32>
    %dot_general3A_985 = tpu.matmul %get3A_182, %squeeze3A_983, %dot_general3A_984 {dimension_numbers = #tpu.dot_dimension_numbers<[1], [0], [0], [1], [0, 0, 1, 1], [], []>, transpose_lhs_hint = false} : vector<224x4xf32>, vector<4x224xf32>, vector<224x224xf32> -> vector<224x224xf32>
    %get3A_986 = arith.constant 0 : index
    %get3A_987 = arith.constant 28 : index
    %get3A_988 = arith.constant 0 : index
    %get3A_989 = arith.constant 0 : index
    %get3A_990 = vector.load %arg5[%get3A_986, %get3A_987, %get3A_988, %get3A_989] : memref<2x32x224x224xf32, #tpu.memory_space<vmem>>, vector<1x1x224x224xf32>
    %get3A_991 = vector.shape_cast %get3A_990 : vector<1x1x224x224xf32> to vector<224x224xf32>
    %sub3A_992 = arith.subf %get3A_991, %dot_general3A_981 : vector<224x224xf32>
    %mul3A_993 = arith.mulf %sub3A_992, %dot_general3A_985 : vector<224x224xf32>
    %slice3A_994 = vector.extract_strided_slice %get3A_29 {offsets = [28, 0, 0], sizes = [1, 1, 1], strides = [1, 1, 1]} : vector<32x1x1xf32> to vector<1x1x1xf32>
    %squeeze3A_995 = vector.shape_cast %slice3A_994 : vector<1x1x1xf32> to vector<1x1xf32>
    %add3A_996 = vector.broadcast %squeeze3A_995 : vector<1x1xf32> to vector<224x224xf32>
    %add3A_997 = arith.addf %mul3A_993, %add3A_996 : vector<224x224xf32>
    %swap3A_998 = arith.constant 0 : index
    %swap3A_999 = arith.constant 28 : index
    %swap3A_1000 = arith.constant 0 : index
    %swap3A_1001 = arith.constant 0 : index
    %swap3A_1002 = vector.load %arg12[%swap3A_998, %swap3A_999, %swap3A_1000, %swap3A_1001] : memref<2x32x224x224xf32, #tpu.memory_space<vmem>>, vector<1x1x224x224xf32>
    %swap3A_1003 = vector.shape_cast %swap3A_1002 : vector<1x1x224x224xf32> to vector<224x224xf32>
    %swap3A_1004 = vector.shape_cast %add3A_997 : vector<224x224xf32> to vector<1x1x224x224xf32>
    tpu.vector_store %arg12[%swap3A_998, %swap3A_999, %swap3A_1000, %swap3A_1001], %swap3A_1004 {strides = array<i32>} : memref<2x32x224x224xf32, #tpu.memory_space<vmem>>, vector<1x1x224x224xf32>,
    %slice3A_1005 = vector.extract_strided_slice %concatenate3A {offsets = [29, 0, 0], sizes = [1, 4, 224], strides = [1, 1, 1]} : vector<32x4x224xf32> to vector<1x4x224xf32>
    %squeeze3A_1006 = vector.shape_cast %slice3A_1005 : vector<1x4x224xf32> to vector<4x224xf32>
    %dot_general3A_1007 = arith.constant dense<0.000000e+00> : vector<224x224xf32>
    %dot_general3A_1008 = tpu.matmul %get3A_182, %squeeze3A_1006, %dot_general3A_1007 {dimension_numbers = #tpu.dot_dimension_numbers<[1], [0], [0], [1], [0, 0, 1, 1], [], []>, transpose_lhs_hint = false} : vector<224x4xf32>, vector<4x224xf32>, vector<224x224xf32> -> vector<224x224xf32>
    %slice3A_1009 = vector.extract_strided_slice %concatenate3A_221 {offsets = [29, 0, 0], sizes = [1, 4, 224], strides = [1, 1, 1]} : vector<32x4x224xf32> to vector<1x4x224xf32>
    %squeeze3A_1010 = vector.shape_cast %slice3A_1009 : vector<1x4x224xf32> to vector<4x224xf32>
    %dot_general3A_1011 = arith.constant dense<0.000000e+00> : vector<224x224xf32>
    %dot_general3A_1012 = tpu.matmul %get3A_182, %squeeze3A_1010, %dot_general3A_1011 {dimension_numbers = #tpu.dot_dimension_numbers<[1], [0], [0], [1], [0, 0, 1, 1], [], []>, transpose_lhs_hint = false} : vector<224x4xf32>, vector<4x224xf32>, vector<224x224xf32> -> vector<224x224xf32>
    %get3A_1013 = arith.constant 0 : index
    %get3A_1014 = arith.constant 29 : index
    %get3A_1015 = arith.constant 0 : index
    %get3A_1016 = arith.constant 0 : index
    %get3A_1017 = vector.load %arg5[%get3A_1013, %get3A_1014, %get3A_1015, %get3A_1016] : memref<2x32x224x224xf32, #tpu.memory_space<vmem>>, vector<1x1x224x224xf32>
    %get3A_1018 = vector.shape_cast %get3A_1017 : vector<1x1x224x224xf32> to vector<224x224xf32>
    %sub3A_1019 = arith.subf %get3A_1018, %dot_general3A_1008 : vector<224x224xf32>
    %mul3A_1020 = arith.mulf %sub3A_1019, %dot_general3A_1012 : vector<224x224xf32>
    %slice3A_1021 = vector.extract_strided_slice %get3A_29 {offsets = [29, 0, 0], sizes = [1, 1, 1], strides = [1, 1, 1]} : vector<32x1x1xf32> to vector<1x1x1xf32>
    %squeeze3A_1022 = vector.shape_cast %slice3A_1021 : vector<1x1x1xf32> to vector<1x1xf32>
    %add3A_1023 = vector.broadcast %squeeze3A_1022 : vector<1x1xf32> to vector<224x224xf32>
    %add3A_1024 = arith.addf %mul3A_1020, %add3A_1023 : vector<224x224xf32>
    %swap3A_1025 = arith.constant 0 : index
    %swap3A_1026 = arith.constant 29 : index
    %swap3A_1027 = arith.constant 0 : index
    %swap3A_1028 = arith.constant 0 : index
    %swap3A_1029 = vector.load %arg12[%swap3A_1025, %swap3A_1026, %swap3A_1027, %swap3A_1028] : memref<2x32x224x224xf32, #tpu.memory_space<vmem>>, vector<1x1x224x224xf32>
    %swap3A_1030 = vector.shape_cast %swap3A_1029 : vector<1x1x224x224xf32> to vector<224x224xf32>
    %swap3A_1031 = vector.shape_cast %add3A_1024 : vector<224x224xf32> to vector<1x1x224x224xf32>
    tpu.vector_store %arg12[%swap3A_1025, %swap3A_1026, %swap3A_1027, %swap3A_1028], %swap3A_1031 {strides = array<i32>} : memref<2x32x224x224xf32, #tpu.memory_space<vmem>>, vector<1x1x224x224xf32>,
    %slice3A_1032 = vector.extract_strided_slice %concatenate3A {offsets = [30, 0, 0], sizes = [1, 4, 224], strides = [1, 1, 1]} : vector<32x4x224xf32> to vector<1x4x224xf32>
    %squeeze3A_1033 = vector.shape_cast %slice3A_1032 : vector<1x4x224xf32> to vector<4x224xf32>
    %dot_general3A_1034 = arith.constant dense<0.000000e+00> : vector<224x224xf32>
    %dot_general3A_1035 = tpu.matmul %get3A_182, %squeeze3A_1033, %dot_general3A_1034 {dimension_numbers = #tpu.dot_dimension_numbers<[1], [0], [0], [1], [0, 0, 1, 1], [], []>, transpose_lhs_hint = false} : vector<224x4xf32>, vector<4x224xf32>, vector<224x224xf32> -> vector<224x224xf32>
    %slice3A_1036 = vector.extract_strided_slice %concatenate3A_221 {offsets = [30, 0, 0], sizes = [1, 4, 224], strides = [1, 1, 1]} : vector<32x4x224xf32> to vector<1x4x224xf32>
    %squeeze3A_1037 = vector.shape_cast %slice3A_1036 : vector<1x4x224xf32> to vector<4x224xf32>
    %dot_general3A_1038 = arith.constant dense<0.000000e+00> : vector<224x224xf32>
    %dot_general3A_1039 = tpu.matmul %get3A_182, %squeeze3A_1037, %dot_general3A_1038 {dimension_numbers = #tpu.dot_dimension_numbers<[1], [0], [0], [1], [0, 0, 1, 1], [], []>, transpose_lhs_hint = false} : vector<224x4xf32>, vector<4x224xf32>, vector<224x224xf32> -> vector<224x224xf32>
    %get3A_1040 = arith.constant 0 : index
    %get3A_1041 = arith.constant 30 : index
    %get3A_1042 = arith.constant 0 : index
    %get3A_1043 = arith.constant 0 : index
    %get3A_1044 = vector.load %arg5[%get3A_1040, %get3A_1041, %get3A_1042, %get3A_1043] : memref<2x32x224x224xf32, #tpu.memory_space<vmem>>, vector<1x1x224x224xf32>
    %get3A_1045 = vector.shape_cast %get3A_1044 : vector<1x1x224x224xf32> to vector<224x224xf32>
    %sub3A_1046 = arith.subf %get3A_1045, %dot_general3A_1035 : vector<224x224xf32>
    %mul3A_1047 = arith.mulf %sub3A_1046, %dot_general3A_1039 : vector<224x224xf32>
    %slice3A_1048 = vector.extract_strided_slice %get3A_29 {offsets = [30, 0, 0], sizes = [1, 1, 1], strides = [1, 1, 1]} : vector<32x1x1xf32> to vector<1x1x1xf32>
    %squeeze3A_1049 = vector.shape_cast %slice3A_1048 : vector<1x1x1xf32> to vector<1x1xf32>
    %add3A_1050 = vector.broadcast %squeeze3A_1049 : vector<1x1xf32> to vector<224x224xf32>
    %add3A_1051 = arith.addf %mul3A_1047, %add3A_1050 : vector<224x224xf32>
    %swap3A_1052 = arith.constant 0 : index
    %swap3A_1053 = arith.constant 30 : index
    %swap3A_1054 = arith.constant 0 : index
    %swap3A_1055 = arith.constant 0 : index
    %swap3A_1056 = vector.load %arg12[%swap3A_1052, %swap3A_1053, %swap3A_1054, %swap3A_1055] : memref<2x32x224x224xf32, #tpu.memory_space<vmem>>, vector<1x1x224x224xf32>
    %swap3A_1057 = vector.shape_cast %swap3A_1056 : vector<1x1x224x224xf32> to vector<224x224xf32>
    %swap3A_1058 = vector.shape_cast %add3A_1051 : vector<224x224xf32> to vector<1x1x224x224xf32>
    tpu.vector_store %arg12[%swap3A_1052, %swap3A_1053, %swap3A_1054, %swap3A_1055], %swap3A_1058 {strides = array<i32>} : memref<2x32x224x224xf32, #tpu.memory_space<vmem>>, vector<1x1x224x224xf32>,
    %slice3A_1059 = vector.extract_strided_slice %concatenate3A {offsets = [31, 0, 0], sizes = [1, 4, 224], strides = [1, 1, 1]} : vector<32x4x224xf32> to vector<1x4x224xf32>
    %squeeze3A_1060 = vector.shape_cast %slice3A_1059 : vector<1x4x224xf32> to vector<4x224xf32>
    %dot_general3A_1061 = arith.constant dense<0.000000e+00> : vector<224x224xf32>
    %dot_general3A_1062 = tpu.matmul %get3A_182, %squeeze3A_1060, %dot_general3A_1061 {dimension_numbers = #tpu.dot_dimension_numbers<[1], [0], [0], [1], [0, 0, 1, 1], [], []>, transpose_lhs_hint = false} : vector<224x4xf32>, vector<4x224xf32>, vector<224x224xf32> -> vector<224x224xf32>
    %slice3A_1063 = vector.extract_strided_slice %concatenate3A_221 {offsets = [31, 0, 0], sizes = [1, 4, 224], strides = [1, 1, 1]} : vector<32x4x224xf32> to vector<1x4x224xf32>
    %squeeze3A_1064 = vector.shape_cast %slice3A_1063 : vector<1x4x224xf32> to vector<4x224xf32>
    %dot_general3A_1065 = arith.constant dense<0.000000e+00> : vector<224x224xf32>
    %dot_general3A_1066 = tpu.matmul %get3A_182, %squeeze3A_1064, %dot_general3A_1065 {dimension_numbers = #tpu.dot_dimension_numbers<[1], [0], [0], [1], [0, 0, 1, 1], [], []>, transpose_lhs_hint = false} : vector<224x4xf32>, vector<4x224xf32>, vector<224x224xf32> -> vector<224x224xf32>
    %get3A_1067 = arith.constant 0 : index
    %get3A_1068 = arith.constant 31 : index
    %get3A_1069 = arith.constant 0 : index
    %get3A_1070 = arith.constant 0 : index
    %get3A_1071 = vector.load %arg5[%get3A_1067, %get3A_1068, %get3A_1069, %get3A_1070] : memref<2x32x224x224xf32, #tpu.memory_space<vmem>>, vector<1x1x224x224xf32>
    %get3A_1072 = vector.shape_cast %get3A_1071 : vector<1x1x224x224xf32> to vector<224x224xf32>
    %sub3A_1073 = arith.subf %get3A_1072, %dot_general3A_1062 : vector<224x224xf32>
    %mul3A_1074 = arith.mulf %sub3A_1073, %dot_general3A_1066 : vector<224x224xf32>
    %slice3A_1075 = vector.extract_strided_slice %get3A_29 {offsets = [31, 0, 0], sizes = [1, 1, 1], strides = [1, 1, 1]} : vector<32x1x1xf32> to vector<1x1x1xf32>
    %squeeze3A_1076 = vector.shape_cast %slice3A_1075 : vector<1x1x1xf32> to vector<1x1xf32>
    %add3A_1077 = vector.broadcast %squeeze3A_1076 : vector<1x1xf32> to vector<224x224xf32>
    %add3A_1078 = arith.addf %mul3A_1074, %add3A_1077 : vector<224x224xf32>
    %swap3A_1079 = arith.constant 0 : index
    %swap3A_1080 = arith.constant 31 : index
    %swap3A_1081 = arith.constant 0 : index
    %swap3A_1082 = arith.constant 0 : index
    %swap3A_1083 = vector.load %arg12[%swap3A_1079, %swap3A_1080, %swap3A_1081, %swap3A_1082] : memref<2x32x224x224xf32, #tpu.memory_space<vmem>>, vector<1x1x224x224xf32>
    %swap3A_1084 = vector.shape_cast %swap3A_1083 : vector<1x1x224x224xf32> to vector<224x224xf32>
    %swap3A_1085 = vector.shape_cast %add3A_1078 : vector<224x224xf32> to vector<1x1x224x224xf32>
    tpu.vector_store %arg12[%swap3A_1079, %swap3A_1080, %swap3A_1081, %swap3A_1082], %swap3A_1085 {strides = array<i32>} : memref<2x32x224x224xf32, #tpu.memory_space<vmem>>, vector<1x1x224x224xf32>,
    return
  }
  func.func @transform_0(%arg0: i32) -> (i32, i32) {
    %c0_i32 = arith.constant 0 : i32
    %c0_i32_0 = arith.constant 0 : i32
    %c0_i32_1 = arith.constant 0 : i32
    return %c0_i32, %c0_i32_0 : i32, i32
  }
  func.func @transform_1(%arg0: i32) -> (i32, i32) {
    %c0_i32 = arith.constant 0 : i32
    %c0_i32_0 = arith.constant 0 : i32
    %c0_i32_1 = arith.constant 0 : i32
    return %c0_i32, %c0_i32_0 : i32, i32
  }
  func.func @transform_2(%arg0: i32) -> (i32, i32) {
    %c0_i32 = arith.constant 0 : i32
    %c0_i32_0 = arith.constant 0 : i32
    %c0_i32_1 = arith.constant 0 : i32
    return %c0_i32, %c0_i32_0 : i32, i32
  }
  func.func @transform_3(%arg0: i32) -> (i32, i32) {
    %c0_i32 = arith.constant 0 : i32
    %c0_i32_0 = arith.constant 0 : i32
    %c0_i32_1 = arith.constant 0 : i32
    return %c0_i32, %c0_i32_0 : i32, i32
  }
  func.func @transform_4(%arg0: i32) -> (i32, i32, i32, i32) {
    %c0_i32 = arith.constant 0 : i32
    %c0_i32_0 = arith.constant 0 : i32
    %c0_i32_1 = arith.constant 0 : i32
    %c0_i32_2 = arith.constant 0 : i32
    return %c0_i32, %arg0, %c0_i32_0, %c0_i32_1 : i32, i32, i32, i32
  }
  func.func @transform_5(%arg0: i32) -> (i32, i32) {
    %c0_i32 = arith.constant 0 : i32
    %c0_i32_0 = arith.constant 0 : i32
    %c0_i32_1 = arith.constant 0 : i32
    return %c0_i32, %c0_i32_0 : i32, i32
  }
  func.func @transform_6(%arg0: i32) -> (i32, i32) {
    %c0_i32 = arith.constant 0 : i32
    %c0_i32_0 = arith.constant 0 : i32
    %c0_i32_1 = arith.constant 0 : i32
    return %c0_i32, %c0_i32_0 : i32, i32
  }
  func.func @transform_7(%arg0: i32) -> (i32, i32) {
    %c0_i32 = arith.constant 0 : i32
    %c0_i32_0 = arith.constant 0 : i32
    %c0_i32_1 = arith.constant 0 : i32
    return %c0_i32, %c0_i32_0 : i32, i32
  }
  func.func @transform_8(%arg0: i32) -> (i32, i32) {
    %c0_i32 = arith.constant 0 : i32
    %c0_i32_0 = arith.constant 0 : i32
    %c0_i32_1 = arith.constant 0 : i32
    return %c0_i32, %c0_i32_0 : i32, i32
  }
  func.func @transform_9(%arg0: i32) -> (i32, i32, i32, i32) {
    %c0_i32 = arith.constant 0 : i32
    %c0_i32_0 = arith.constant 0 : i32
    %c0_i32_1 = arith.constant 0 : i32
    %c0_i32_2 = arith.constant 0 : i32
    return %c0_i32, %arg0, %c0_i32_0, %c0_i32_1 : i32, i32, i32, i32
  }
  func.func @transform_10(%arg0: i32) -> (i32, i32, i32, i32) {
    %c0_i32 = arith.constant 0 : i32
    %c0_i32_0 = arith.constant 0 : i32
    %c0_i32_1 = arith.constant 0 : i32
    %c0_i32_2 = arith.constant 0 : i32
    return %c0_i32, %arg0, %c0_i32_0, %c0_i32_1 : i32, i32, i32, i32
  }
  func.func @transform_11(%arg0: i32) -> (i32, i32, i32, i32) {
    %c0_i32 = arith.constant 0 : i32
    %c0_i32_0 = arith.constant 0 : i32
    %c0_i32_1 = arith.constant 0 : i32
    %c0_i32_2 = arith.constant 0 : i32
    return %c0_i32, %arg0, %c0_i32_0, %c0_i32_1 : i32, i32, i32, i32
  }
}

</mosaic_0001>

<sc_bundles>
// kernel: kernel.4.cloned.1.call-start
scs
__scs_entry_jumppad:
0x0: {  	(pc) =	sbr.rel $0x88, $3  }
0x1: {  	(tag) =	ssettag $0x0;
	lr =	simm.s32 $0x1  }
0x2: {  	[smem:$0x3F98] =	sst lr;
	_ =	strace $0xD0000000  }
0x3: {  	_ = 	snop  }
0x4: {  	_ = 	snop  }
0x5: {  	_ = 	snop  }
0x6: {  	_ = 	snop  }
0x7: {  	_ = 	snop  }
__scs_overlays_trampoline_lowered:
0x8: {  	[smem:$0x3FA7] =	sst s0  }
0x9: {  	[smem:$0x3FA8] =	sst s1  }
0xa: {  	[smem:$0x3FA9] =	sst s2  }
0xb: {  	[smem:$0x3FAA] =	sst s3  }
0xc: {  	[smem:$0x3FAB] =	sst s4  }
0xd: {  	[smem:$0x3FAC] =	sst s5  }
0xe: {  	[smem:$0x3FAD] =	sst s6  }
0xf: {  	[smem:$0x3FAE] =	sst s7  }
0x10: {  	[smem:$0x3FAF] =	sst s8  }
0x11: {  	[smem:$0x3FB0] =	sst s9;
	s0 =	simm.s32 @!p0 $0x0  }
0x12: {  	s1 =	sld [smem:$0x3F96];
	s0 =	simm.s32 @p0 $0x1  }
0x13: {  	[smem:$0x3FB1] =	sst s0;
	s0 =	simm.s32 @!p1 $0x0  }
0x14: {  	s2 =	sld [smem:$0x3F95];
	s0 =	simm.s32 @p1 $0x1  }
0x15: {  	[smem:$0x3FB2] =	sst s0;
	s0 =	simm.s32 @!p2 $0x0  }
0x16: {  	s3 =	sld [smem:$0x3FDB];
	s0 =	simm.s32 @p2 $0x1  }
0x17: {  	s4 =	simm.s32 $0x1BF5;
	[smem:$0x3FB4] =	sst s0  }
0x18: {  	s0 =	sld [smem:$0x3F97];
	_ =	swait.ge [sflag:s4], $0x0  }
0x19: {  	s7 =	sld [smem:$0x3F98]  }
0x1a: {  	s8 =	sadd.s32 $0xFFFFE003, lr  }
0x1b: {  	s9 =	sadd.s32 $0xFFFFFEF7, lr;
	s5 =	simm.s32 $0xFFFFFFFF;
	p2 =	slt.u32 s8, $0xFFFFF086  }
0x1c: {  	p1 =	slt.u32 s9, $0xF7A;
	s5 =	simm.s32 @!p2 $0x0  }
0x1d: {  	s5 =	simm.s32 @p1 $0x1;
	p0 =	seq.s32 s7, s2  }
0x1e: {  	s7 =	smul.u32 @!p0 $0xF7A, s2;
	p2 =	seq.s32 @!p0 s5, $0x0  }
0x1f: {  	s9 =	smul.u32 $0xF7A, s1;
	s8 =	simm.s32 @!p0 $0x1BF5;
	p2 =	por !p2, p0  }
0x20: {  	[sflag:s8] =	ssyncset.s32 @!p0 $0xFFFFF086;
	s6 =	sadd.s32 @!p0 s3, s7;
	s7 =	simm.s32 @!p0 $0x108  }
0x21: {  	s3 =	sadd.s32 s3, s9;
	s6 =	sadd.s32 @!p0 $0x88, s6;
	s7 =	simm.s32 @p2 $0x1082  }
0x22: {  	[simem:s7], [sflag:s8] =	dma.local @!p0 [hbm:s6], $0xF7A  }
0x23: {  	s9 =	sor.u32 $0xD0000000, s2;
	s6 =	simm.s32 $0x108;
	_ =	swait.ge @!p0 [sflag:s8], $0x0  }
0x24: {  	s3 =	sadd.s32 $0x88, s3;
	s6 =	simm.s32 @!p1 $0x1082;
	[sflag:s4] =	ssyncset.s32 $0xFFFFF086  }
0x25: {  	[simem:s6], [sflag:s4] =	dma.local [hbm:s3], $0xF7A  }
0x26: {  	[smem:$0x3F98] =	sst s1;
	(tag) =	ssettag s2;
	_ =	strace s9  }
0x27: {  	s1 =	sld [smem:$0x3FA8]  }
0x28: {  	s2 =	sld [smem:$0x3FA9]  }
0x29: {  	s4 =	sld [smem:$0x3FAB]  }
0x2a: {  	p0 =	seq.s32 s5, $0x0;
	s5 =	sld [smem:$0x3FAC]  }
0x2b: {  	s6 =	sld [smem:$0x3FAD]  }
0x2c: {  	s7 =	sld [smem:$0x3FAE]  }
0x2d: {  	s3 =	simm.s32 $0x108;
	s8 =	sld [smem:$0x3FAF]  }
0x2e: {  	s3 =	simm.s32 @!p0 $0x1082;
	s9 =	sld [smem:$0x3FB0]  }
0x2f: {  	lr =	sadd.s32 s0, s3;
	s0 =	sld [smem:$0x3FA7]  }
0x30: {  	s3 =	sld [smem:$0x3FAA]  }
0x31: {  	[smem:$0x3FB3] =	sst s10  }
0x32: {  	s10 =	sld [smem:$0x3FB1];
	_ =	sdelay $0x3  }
0x33: {  	p0 =	seq.s32 s10, $0x1;
	s10 =	sld [smem:$0x3FB3];
	_ =	sdelay $0x3  }
0x34: {  	[smem:$0x3FB3] =	sst s10  }
0x35: {  	s10 =	sld [smem:$0x3FB2];
	_ =	sdelay $0x3  }
0x36: {  	p1 =	seq.s32 s10, $0x1;
	s10 =	sld [smem:$0x3FB3];
	_ =	sdelay $0x3  }
0x37: {  	[smem:$0x3FB3] =	sst s10  }
0x38: {  	s10 =	sld [smem:$0x3FB4]  }
0x39: {  	_ = 	snop;
	(pc) =	sbr.ind lr, $3  }
0x3a: {  	_ = 	snop  }
0x3b: {  	_ = 	snop  }
0x3c: {  	p2 =	seq.s32 s10, $0x1;
	s10 =	sld [smem:$0x3FB3]  }
0x3d: {  	_ =	shalt  }
0x3e: {  	_ =	shalt  }
0x3f: {  	_ =	shalt  }
0x40: {  	_ =	shalt  }
0x41: {  	_ =	shalt  }
0x42: {  	_ =	shalt  }
0x43: {  	_ =	shalt  }
0x44: {  	_ =	shalt  }
0x45: {  	_ =	shalt  }
0x46: {  	_ =	shalt  }
0x47: {  	_ =	shalt  }
0x48: {  	_ =	shalt  }
0x49: {  	_ =	shalt  }
0x4a: {  	_ =	shalt  }
0x4b: {  	_ =	shalt  }
0x4c: {  	_ =	shalt  }
0x4d: {  	_ =	shalt  }
0x4e: {  	_ =	shalt  }
0x4f: {  	_ =	shalt  }
0x50: {  	_ =	shalt  }
0x51: {  	_ =	shalt  }
0x52: {  	_ =	shalt  }
0x53: {  	_ =	shalt  }
0x54: {  	_ =	shalt  }
0x55: {  	_ =	shalt  }
0x56: {  	_ =	shalt  }
0x57: {  	_ =	shalt  }
0x58: {  	_ =	shalt  }
0x59: {  	_ =	shalt  }
0x5a: {  	_ =	shalt  }
0x5b: {  	_ =	shalt  }
0x5c: {  	_ =	shalt  }
0x5d: {  	_ =	shalt  }
0x5e: {  	_ =	shalt  }
0x5f: {  	_ =	shalt  }
0x60: {  	_ =	shalt  }
0x61: {  	_ =	shalt  }
0x62: {  	_ =	shalt  }
0x63: {  	_ =	shalt  }
0x64: {  	_ =	shalt  }
0x65: {  	_ =	shalt  }
0x66: {  	_ =	shalt  }
0x67: {  	_ =	shalt  }
0x68: {  	_ =	shalt  }
0x69: {  	_ =	shalt  }
0x6a: {  	_ =	shalt  }
0x6b: {  	_ =	shalt  }
0x6c: {  	_ =	shalt  }
0x6d: {  	_ =	shalt  }
0x6e: {  	_ =	shalt  }
0x6f: {  	_ =	shalt  }
0x70: {  	_ =	shalt  }
0x71: {  	_ =	shalt  }
0x72: {  	_ =	shalt  }
0x73: {  	_ =	shalt  }
0x74: {  	_ =	shalt  }
0x75: {  	_ =	shalt  }
0x76: {  	_ =	shalt  }
0x77: {  	_ =	shalt  }
0x78: {  	_ =	shalt  }
0x79: {  	_ =	shalt  }
0x7a: {  	_ =	shalt  }
0x7b: {  	_ =	shalt  }
0x7c: {  	_ =	shalt  }
0x7d: {  	_ =	shalt  }
0x7e: {  	_ =	shalt  }
0x7f: {  	_ =	shalt  }
0x80: {  	_ =	shalt  }
0x81: {  	_ =	shalt  }
0x82: {  	_ =	shalt  }
0x83: {  	_ =	shalt  }
0x84: {  	_ =	shalt  }
0x85: {  	_ =	shalt  }
0x86: {  	_ =	shalt  }
0x87: {  	_ =	shalt  }
.Lfunc_end0:
.L_simem_size_0:
called_computation_lowered:
.L_overlay_start_0:
0x88: {  	s2 =	sld [smem:$0x3FD9]  }
0x89: {  	s3 =	sld [smem:$0x3FFE];
	_ =	sdelay $0x1  }
0x8a: {  	s1 =	srdreg.scid  }
0x8b: {  	s0 =	sand.u32 $0x1, s1  }
0x8c: {  	s17 =	sshll.u32 s0, $0xA;
	s2 =	sadd.s32 s3, s2  }
0x8d: {  	s2 =	sadd.s32 s2, s17  }
0x8e: {  	[smem:$0x3FBF] =	sst s2  }
0x8f: {  	_ = 	snop  }
0x90: {  	s2 =	sld [smem:$0x3FD0];
	(tm) =	ssettm $0x1  }
0x91: {  	s18 =	sld [smem:$0x3FFB];
	_ =	sdelay $0x3  }
0x92: {  	_ =	strace s18  }
0x93: {  	s3 =	sld [smem:$0x3FFC];
	_ =	sdelay $0x3  }
0x94: {  	_ =	strace s3  }
0x95: {  	s3 =	sld [smem:$0x3FFD];
	_ =	sdelay $0x3  }
0x96: {  	_ =	strace s3  }
0x97: {  	_ =	strace $0x8FFFFFFF  }
0x98: {  	s19 =	sld [smem:$0x3FDB];
	_ =	sdelay $0x1  }
0x99: {  	s4 =	simm.s32 $_scs_section_size  }
0x9a: {  	s5 =	simm.s32 $_size__tile_overlayer_lowered;
	s6 =	simm.s32 $_tile_overlayer_lowered  }
0x9b: {  	s22 =	simm.s32 $0x1BFF;
	s21 =	sshll.u32 s6, $0x1;
	s3 =	sadd.s32 s4, s19  }
0x9c: {  	s7 =	simm.s32 $0x0;
	s20 =	sshll.u32 s5, $0x1;
	s5 =	sadd.s32 s21, s3  }
0x9d: {  	[timem:s7], [sflag:s22] =	dma.local [hbm:s5], s20  }
0x9e: {  	_ =	swait.ge [sflag:s22], s20  }
0x9f: {  	s4 =	ssub.s32 $0x0, s20;
	[sflag:s22] =	ssyncset.done $0x0  }
0xa0: {  	[sflag:s22] =	ssyncadd.s32 s4;
	_ =	sdelay $0x1  }
0xa1: {  	s23 =	simm.s32 $0x1B8B  }
0xa2: {  	_ =	swait.ge [sflag:s23], $0x1  }
0xa3: {  	[sflag:s23] =	ssyncset.done $0x0  }
0xa4: {  	s25 =	simm.s32 $0x1B8E;
	s24 =	sld [smem:$0x3FFE];
	[sflag:s23] =	ssyncadd.s32 $0xFFFFFFFF  }
0xa5: {  	s26 =	simm.s32 $execute0_lowered;
	[smem:$0x3FD2] =	sst s25  }
0xa6: {  	s5 =	sshll.u32 s26, $0x1;
	_ =	strace $0x80000046;
	[dreg:$0x1] =	wrdreg $0xFFFFFFFF  }
0xa7: {  	s28 =	simm.s32 $_size_execute0_lowered;
	s3 =	sadd.s32 s3, s5;
	[dreg:$0x0] =	wrdreg $0x0  }
0xa8: {  	s5 =	sshll.u32 s28, $0x1;
	[dreg:$0x2] =	wrdreg s3  }
0xa9: {  	[dreg:$0x3] =	wrdreg s5  }
0xaa: {  	[dreg:$0x4] =	wrdreg $0xC0  }
0xab: {  	_ =	task [dreg:s7], $0x5FFFF  }
0xac: {  	[dreg:$0x1] =	wrdreg $0xFFFFFFFF  }
0xad: {  	[dreg:$0x0] =	wrdreg $0x60  }
0xae: {  	[dreg:$0x2] =	wrdreg s2  }
0xaf: {  	[dreg:$0x3] =	wrdreg s24  }
0xb0: {  	[dreg:$0x4] =	wrdreg $0x9  }
0xb1: {  	_ =	task.clear_ibuf [dreg:s7], $0x5FFFF;
	_ =	strace $0x90000046  }
0xb2: {  	s29 =	simm.s32 $0x9;
	_ =	strace $0x80000048  }
0xb3: {  	_ =	swait.ge [sflag:s29], $0x1  }
0xb4: {  	[sflag:s29] =	ssyncadd.s32 $0xFFFFFFFF  }
0xb5: {  	_ =	strace $0x90000048  }
0xb6: {  	_ =	sfence  }
0xb7: {  	s30 =	sld [smem:$0x0];
	_ =	sdelay $0x2  }
0xb8: {  	s31 =	sshll.u32 s1, $0xD;
	s1 =	sshrl.u32 s1, $0x2  }
0xb9: {  	s3 =	sand.u32 $0x4000, s31;
	s1 =	sadd.s32 s1, s30  }
0xba: {  	s0 =	sor.u32 s3, s0;
	s1 =	sshll.u32 s1, $0x11  }
0xbb: {  	s0 =	sor.u32 s1, s0  }
0xbc: {  	s0 =	sadd.s32 $0x8F2B, s0  }
0xbd: {  	[sflag:s0] =	ssyncadd.remote.s32 $0x1  }
0xbe: {  	_ =	sfence.sel $0xFFFF  }
0xbf: {  	[dreg:$0x0] =	wrdreg $0xFFFFFFFF;
	(pc) =	sbr.abs _section_cstart, $3  }
0xc0: {  	[dreg:$0x1] =	wrdreg $0xFFFFFFFF  }
0xc1: {  	_ =	task.clear_ibuf [dreg:s7], $0x2FFFF;
	_ =	strace $0x9FFFFFFF  }
0xc2: {  	(tm) =	ssettm $0x7FFFFFFF  }
0xc3: {  	_ =	shalt  }
tec
execute0_lowered:
.L_overlay_start_1:
0x0: {  	(tag) =	ssettag $0x1  }
0x1: {  	s0 =	srdreg.scid  }
0x2: {  	s11 =	sand.u32 $0x1, s0;
	s0 =	stileid.u32  }
0x3: {  	s3 =	sshll.u32 s0, $0x1;
	s4 =	ssub.s32 $0x0, s11  }
0x4: {  	p0 =	sne.s32 s3, s4  }
.Ltmp0:
0x5: {  	_ = 	snop;
	(pc) =	sbr.rel @p0 .LBB2_4-.Ltmp0, $4  }
0x6: {  	_ = 	snop  }
0x7: {  	s2 =	rddreg [dreg:$0x0]  }
0x8: {  	s12 =	rddreg [dreg:$0x1]  }
0x9: {  	s1 =	rddreg [dreg:$0x2];
	_ =	strace $0x80000047  }
0xa: {  	s3 =	sadd.s32 $0x1C00, s12;
	s5 =	simm.s32 $0x0;
	s4 =	simm.s32 $0x2  }
0xb: {  	[tilespmem:s5], [sflag:$0x2] =	stream.linear.gather [hbm4b:s3+s5], $0x80, $0x38;
	[tilespmem:$0x1080] =	vst v63  }
0xc: {  	_ =	swait.ge [sflag:s4], $0x80  }
0xd: {  	s6 =	simm.s32 $0x10;
	[sflag:s4] =	ssyncset.done $0x0  }
0xe: {  	s7 =	simm.s32 $0x80;
	s8 =	simm.s32 $0x1;
	[sflag:s4] =	ssyncadd.s32 $0xFFFFFF80  }
0xf: {  	[tilespmem:s7], [sflag:$0x1] =	stream.indirect.gather [hbm4b:s2+s6], $0x80, s5, s6, $0xb8;
	[tilespmem:$0x1080] =	vst v63  }
0x10: {  	_ =	swait.ge [sflag:s8], $0x800  }
0x11: {  	[sflag:s8] =	ssyncset.done $0x0  }
0x12: {  	s9 =	sadd.s32 $0x1E00, s12;
	s13 =	ssub.s32 $0x2, s11;
	[sflag:s8] =	ssyncadd.s32 $0xFFFFF800  }
0x13: {  	[hbm4b:s9+s5] =	stream.linear.scatter [tilespmem:s7], [sflag:$0x2], $0x800, $0x38;
	[tilespmem:$0x1080] =	vst v63  }
0x14: {  	s14 =	sshrl.u32 s13, $0x1;
	_ =	swait.ge [sflag:s4], $0x800  }
0x15: {  	s10 =	sadd.s32 $0xC00, s12;
	s13 =	ssub.s32 s13, s14;
	[sflag:s4] =	ssyncset.done $0x0  }
0x16: {  	s11 =	simm.s32 $0x880;
	s13 =	smax.u32 s13, $0x1;
	[sflag:s4] =	ssyncadd.s32 $0xFFFFF800  }
0x17: {  	[tilespmem:s11], [sflag:$0x1] =	stream.indirect.gather [hbm4b:s10+s6], $0x80, s5, s6, $0xb8;
	[tilespmem:$0x1080] =	vst v63  }
0x18: {  	p0 =	sne.s32 s13, $0x1;
	_ =	swait.ge [sflag:s8], $0x800  }
.Ltmp1:
0x19: {  	[sflag:s8] =	ssyncset.done $0x0;
	(pc) =	sbr.rel @!p0 .LBB2_3-.Ltmp1, $4  }
0x1a: {  	s12 =	sadd.s32 $0x2000, s12;
	[sflag:s8] =	ssyncadd.s32 $0xFFFFF800  }
0x1b: {  	[hbm4b:s12+s5] =	stream.linear.scatter [tilespmem:s11], [sflag:$0x2], $0x800, $0x38;
	[tilespmem:$0x1080] =	vst v63  }
0x1c: {  	_ =	swait.ge [sflag:s4], $0x800  }
0x1d: {  	s13 =	sadd.s32 $0xFFFFFFFF, s13;
	[sflag:s4] =	ssyncset.done $0x0  }
.LBB2_2:
0x1e: {  	p0 =	sne.s32 s13, $0x1;
	s13 =	sadd.s32 $0xFFFFFFFF, s13;
	[sflag:s4] =	ssyncadd.s32 $0xFFFFF800  }
0x1f: {  	[tilespmem:s5], [sflag:$0x2] =	stream.linear.gather [hbm4b:s3+s5], $0x80, $0x38;
	[tilespmem:$0x1080] =	vst v63  }
0x20: {  	_ =	swait.ge [sflag:s4], $0x80  }
0x21: {  	[sflag:s4] =	ssyncset.done $0x0  }
0x22: {  	[sflag:s4] =	ssyncadd.s32 $0xFFFFFF80  }
0x23: {  	[tilespmem:s7], [sflag:$0x1] =	stream.indirect.gather [hbm4b:s2+s6], $0x80, s5, s6, $0xb8;
	[tilespmem:$0x1080] =	vst v63  }
0x24: {  	_ =	swait.ge [sflag:s8], $0x800  }
0x25: {  	[sflag:s8] =	ssyncset.done $0x0  }
0x26: {  	[sflag:s8] =	ssyncadd.s32 $0xFFFFF800  }
0x27: {  	[hbm4b:s9+s5] =	stream.linear.scatter [tilespmem:s7], [sflag:$0x2], $0x800, $0x38;
	[tilespmem:$0x1080] =	vst v63  }
0x28: {  	_ =	swait.ge [sflag:s4], $0x800  }
0x29: {  	[sflag:s4] =	ssyncset.done $0x0  }
0x2a: {  	[sflag:s4] =	ssyncadd.s32 $0xFFFFF800  }
0x2b: {  	[tilespmem:s11], [sflag:$0x1] =	stream.indirect.gather [hbm4b:s10+s6], $0x80, s5, s6, $0xb8;
	[tilespmem:$0x1080] =	vst v63  }
0x2c: {  	_ =	swait.ge [sflag:s8], $0x800  }
.Ltmp2:
0x2d: {  	[sflag:s8] =	ssyncset.done $0x0;
	(pc) =	sbr.rel @p0 .LBB2_2-.Ltmp2, $4  }
0x2e: {  	[sflag:s8] =	ssyncadd.s32 $0xFFFFF800  }
0x2f: {  	[hbm4b:s12+s5] =	stream.linear.scatter [tilespmem:s11], [sflag:$0x2], $0x800, $0x38;
	[tilespmem:$0x1080] =	vst v63  }
0x30: {  	_ =	swait.ge [sflag:s4], $0x800  }
0x31: {  	[sflag:s4] =	ssyncset.done $0x0  }
.LBB2_3:
0x32: {  	[sflag:s4] =	ssyncadd.s32 $0xFFFFF800  }
.LBB2_4:
0x33: {  	_ =	sfence.sel $0x180000  }
0x34: {  	[bflag:$0x0] =	sbarrier.arrive $0xFFFF  }
0x35: {  	p0 =	sne.s32 s0, $0x0;
	_ =	strace $0x90000047  }
0x36: {  	s0 =	sadd.s32 @!p0 $0x100000, s1;
	[bflag:$0x2] =	sbarrier.arrive $0xFFFF  }
0x37: {  	[sflag:s0] =	ssyncadd.tile.s32 @!p0 $0x1;
	_ =	shalt  }
.Lfunc_end2:
_tile_overlayer_lowered:
.L_overlay_start_2:
0x38: {  	(tag) =	ssettag $0x2  }
0x39: {  	s0 =	rddreg [dreg:$0x0];
	s2 =	stileid.u32  }
0x3a: {  	s1 =	rddreg [dreg:$0x1];
	p0 =	sne.s32 s2, $0x0  }
0x3b: {  	s3 =	rddreg [dreg:$0x2];
	[bflag:$0x3] =	sbarrier.arrive $0xFFFF;
	s2 =	simm.s32 @!p0 $0x1C02  }
0x3c: {  	[timem:s3], [sflag:s2] =	dma.local @!p0 [hbm:s0], s1  }
0x3d: {  	s0 =	simm.s32 @!p0 $0x2  }
0x3e: {  	_ =	swait.ge @!p0 [sflag:s0], s1  }
0x3f: {  	s1 =	ssub.s32 @!p0 $0x0, s1;
	[sflag:s0] =	ssyncset.done @!p0 $0x0  }
0x40: {  	[sflag:s0] =	ssyncadd.s32 @!p0 s1  }
0x41: {  	[bflag:$0x3] =	sbarrier.arrive $0xFFFF  }
0x42: {  	_ =	shalt  }

</sc_bundles>
